<compile_context>
chip_gen: v7x
topology: tpu7x:2x2x1
jax: 0.10.2.dev20260603
libtpu: 0.0.44.dev20260713+nightly
codegen_flags: <defaults>
</compile_context>

<pallas_src>
import functools

import jax
import jax.numpy as jnp
from jax import lax
from jax.experimental import pallas as pl
from jax.experimental.pallas import tpu as pltpu
from jax.experimental.pallas import tpu_sc as plsc

_NC = 2
_NS = 16
_NW = _NC * _NS
_CHUNK = 104
_GRP = 4
_NSET = 2


def _gather_kernel(B, D, n_chunks):
    mesh = plsc.VectorSubcoreMesh(core_axis_name="c", subcore_axis_name="s")
    b_per_w = B // _NW
    n_groups = n_chunks // _GRP

    @functools.partial(
        pl.kernel,
        out_type=jax.ShapeDtypeStruct((B, D), jnp.float32),
        mesh=mesh,
        scratch_types=[
            pltpu.VMEM((n_chunks, _CHUNK), jnp.int32),
            pltpu.VMEM((_NSET, _GRP, _CHUNK, D), jnp.float32),
            pltpu.SemaphoreType.DMA,
            pltpu.SemaphoreType.DMA,
        ],
        compiler_params=pltpu.CompilerParams(
            use_tc_tiling_on_sc=False, skip_device_barrier=True),
    )
    def k(idx_hbm, table_hbm, out_hbm, idx_v, rows_v, gsem, osem):
        wid = lax.axis_index("s") * _NC + lax.axis_index("c")
        base = wid * b_per_w
        pltpu.sync_copy(idx_hbm.at[wid], idx_v)

        def fire_gathers(g, s):
            for c in range(_GRP):
                pltpu.async_copy(
                    table_hbm.at[idx_v.at[g * _GRP + c]], rows_v.at[s, c], gsem)

        def drain(sem, s):
            for c in range(_GRP):
                pltpu.make_async_copy(
                    out_hbm.at[pl.ds(base, _CHUNK)], rows_v.at[s, c], sem).wait()

        def fire_stores(g, s):
            for c in range(_GRP):
                pltpu.async_copy(
                    rows_v.at[s, c],
                    out_hbm.at[pl.ds(base + (g * _GRP + c) * _CHUNK, _CHUNK)],
                    osem)

        fire_gathers(0, 0)

        @pl.loop(0, n_groups, step=_NSET)
        def _(g0):
            for sset in range(_NSET):
                g = g0 + sset
                s = sset
                drain(gsem, s)

                @pl.when(g >= 1)
                def _():
                    drain(osem, 1 - s)

                @pl.when(g + 1 < n_groups)
                def _():
                    fire_gathers(g + 1, 1 - s)

                fire_stores(g, s)

        drain(osem, (n_groups - 1) % _NSET)

    return k


def kernel(weights, indices):
    V, D = weights.shape
    R, K = indices.shape
    B = R * K
    n_chunks = B // (_NW * _CHUNK)
    idx = indices.reshape(_NW, n_chunks, _CHUNK).astype(jnp.int32)
    out = _gather_kernel(B, D, n_chunks)(idx, weights)
    return out.reshape(R, K, D)

# --- scband reference (transcript-rebuilt; emitter-appended) ---
"""Pipeline reference for scband-int64-input-model-39900246180494 (READ-ONLY COPY).

The authoritative reference and input builder live on the scoring server;
editing this copy changes nothing except your own understanding.
"""

import jax, jax.numpy as jnp
import numpy as np


def setup_inputs(seed: int = 0) -> dict:
    key = jax.random.key(seed)
    k1, k2 = jax.random.split(key)
    weights = jax.random.normal(k1, (1000000, 64), dtype=jnp.float32)
    indices = jax.random.randint(k2, (4096, 26), 0, 1000000, dtype=jnp.int64)
    return {"weights": weights, "indices": indices}


def reference(weights, indices):
    # torch.embedding(weights, indices) == gather rows of weights by indices
    return jnp.take(weights, indices, axis=0)

if __name__ == "__main__":
    import jax
    _d = setup_inputs()
    print(jax.jit(kernel)(*tuple(_d.values())))

</pallas_src>

<mosaic_0001>
#map = affine_map<(d0, d1) -> (0, 0, 0)>
#map1 = affine_map<(d0, d1) -> (0, 0)>
module attributes {stable_mosaic.version = 14 : i64} {
  func.func @k(%arg0: i32, %arg1: i32, %arg2: memref<32x32x104xi32, #tpu.memory_space<hbm>>, %arg3: memref<1000000x64xf32, #tpu.memory_space<hbm>>, %arg4: memref<106496x64xf32, #tpu.memory_space<hbm>>, %arg5: memref<32x104xi32, #tpu.memory_space<vmem>>, %arg6: memref<2x4x104x64xf32, #tpu.memory_space<vmem>>, %arg7: memref<!tpu.dma_semaphore, #tpu.memory_space<semaphore_mem>>, %arg8: memref<!tpu.dma_semaphore, #tpu.memory_space<semaphore_mem>>) attributes {dimension_semantics = [#tpu.dimension_semantics<core_parallel>, #tpu.dimension_semantics<subcore_parallel>], iteration_bounds = array<i64: 2, 16>, scalar_prefetch = 0 : i64, scratch_operands = 4 : i64, tpu.core_type = #tpu.core_type<sc_vector_subcore>, window_params = [{transform_indices = #map}, {transform_indices = #map1}, {transform_indices = #map1}]} {
    %mul3A = arith.constant 2 : i32
    %mul3A_0 = arith.muli %arg1, %mul3A : i32
    %add3A = arith.addi %mul3A_0, %arg0 : i32
    %mul3A_1 = arith.constant 3328 : i32
    %mul3A_2 = arith.muli %add3A, %mul3A_1 : i32
    "tpu.region"() ({
      %run_scoped3A = tpu.sem_alloc : memref<!tpu.dma_semaphore, #tpu.memory_space<semaphore_mem>>
      %dma_start3A_113 = arith.constant 0 : i32
      %dma_start3A_114 = arith.constant 0 : i32
      %dma_start3A_115 = tpu.memref_slice %arg2[%add3A, %dma_start3A_113, %dma_start3A_114] : memref<32x32x104xi32, #tpu.memory_space<hbm>> -> memref<1x32x104xi32, #tpu.memory_space<hbm>>
      %dma_start3A_116 = tpu.memref_squeeze %dma_start3A_115 : memref<1x32x104xi32, #tpu.memory_space<hbm>> -> memref<32x104xi32, #tpu.memory_space<hbm>>
      %dma_start3A_117 = arith.constant 0 : i32
      %dma_start3A_118 = arith.constant 0 : i32
      %dma_start3A_119 = tpu.memref_slice %arg2[%add3A, %dma_start3A_117, %dma_start3A_118] : memref<32x32x104xi32, #tpu.memory_space<hbm>> -> memref<1x32x104xi32, #tpu.memory_space<hbm>>
      %dma_start3A_120 = tpu.memref_squeeze %dma_start3A_119 : memref<1x32x104xi32, #tpu.memory_space<hbm>> -> memref<32x104xi32, #tpu.memory_space<hbm>>
      tpu.enqueue_dma source(%dma_start3A_120 : memref<32x104xi32, #tpu.memory_space<hbm>>) target(%arg5 : memref<32x104xi32, #tpu.memory_space<vmem>>) target_semaphore(%run_scoped3A : memref<!tpu.dma_semaphore, #tpu.memory_space<semaphore_mem>>)
      %dma_wait3A_121 = arith.constant 0 : i32
      %dma_wait3A_122 = arith.constant 0 : i32
      %dma_wait3A_123 = tpu.memref_slice %arg2[%add3A, %dma_wait3A_121, %dma_wait3A_122] : memref<32x32x104xi32, #tpu.memory_space<hbm>> -> memref<1x32x104xi32, #tpu.memory_space<hbm>>
      %dma_wait3A_124 = tpu.memref_squeeze %dma_wait3A_123 : memref<1x32x104xi32, #tpu.memory_space<hbm>> -> memref<32x104xi32, #tpu.memory_space<hbm>>
      %dma_wait3A_125 = arith.constant 0 : i32
      %dma_wait3A_126 = arith.constant 0 : i32
      %dma_wait3A_127 = tpu.memref_slice %arg2[%add3A, %dma_wait3A_125, %dma_wait3A_126] : memref<32x32x104xi32, #tpu.memory_space<hbm>> -> memref<1x32x104xi32, #tpu.memory_space<hbm>>
      %dma_wait3A_128 = tpu.memref_squeeze %dma_wait3A_127 : memref<1x32x104xi32, #tpu.memory_space<hbm>> -> memref<32x104xi32, #tpu.memory_space<hbm>>
      tpu.wait_dma2 semaphore(%run_scoped3A : memref<!tpu.dma_semaphore, #tpu.memory_space<semaphore_mem>>) src(%dma_wait3A_128 : memref<32x104xi32, #tpu.memory_space<hbm>>) dst(%arg5 : memref<32x104xi32, #tpu.memory_space<vmem>>)
      tpu.yield
    }) : () -> ()
    %dma_start3A = arith.constant 0 : i32
    %dma_start3A_3 = arith.constant 0 : i32
    %dma_start3A_4 = arith.constant 0 : i32
    %dma_start3A_5 = arith.constant 0 : i32
    %dma_start3A_6 = arith.constant 0 : i32
    %dma_start3A_7 = tpu.memref_slice %arg6[%dma_start3A_3, %dma_start3A_4, %dma_start3A_5, %dma_start3A_6] : memref<2x4x104x64xf32, #tpu.memory_space<vmem>> -> memref<1x1x104x64xf32, #tpu.memory_space<vmem>>
    %dma_start3A_8 = tpu.memref_squeeze %dma_start3A_7 : memref<1x1x104x64xf32, #tpu.memory_space<vmem>> -> memref<104x64xf32, #tpu.memory_space<vmem>>
    %dma_start3A_9 = arith.constant 0 : i32
    %dma_start3A_10 = tpu.memref_slice %arg5[%dma_start3A, %dma_start3A_9] : memref<32x104xi32, #tpu.memory_space<vmem>> -> memref<1x104xi32, #tpu.memory_space<vmem>>
    %dma_start3A_11 = tpu.memref_squeeze %dma_start3A_10 : memref<1x104xi32, #tpu.memory_space<vmem>> -> memref<104xi32, #tpu.memory_space<vmem>>
    %dma_start3A_12 = arith.constant 0 : i32
    %dma_start3A_13 = arith.constant 0 : i32
    %dma_start3A_14 = tpu.memref_slice %arg3[%dma_start3A_12, %dma_start3A_13] : memref<1000000x64xf32, #tpu.memory_space<hbm>> -> memref<1000000x64xf32, #tpu.memory_space<hbm>>
    tpu.enqueue_indirect_dma source(%dma_start3A_14 : memref<1000000x64xf32, #tpu.memory_space<hbm>>) target(%dma_start3A_8 : memref<104x64xf32, #tpu.memory_space<vmem>>) offsets(%dma_start3A_11 : memref<104xi32, #tpu.memory_space<vmem>>) semaphore(%arg7 : memref<!tpu.dma_semaphore, #tpu.memory_space<semaphore_mem>>)
    %dma_start3A_15 = arith.constant 1 : i32
    %dma_start3A_16 = arith.constant 0 : i32
    %dma_start3A_17 = arith.constant 1 : i32
    %dma_start3A_18 = arith.constant 0 : i32
    %dma_start3A_19 = arith.constant 0 : i32
    %dma_start3A_20 = tpu.memref_slice %arg6[%dma_start3A_16, %dma_start3A_17, %dma_start3A_18, %dma_start3A_19] : memref<2x4x104x64xf32, #tpu.memory_space<vmem>> -> memref<1x1x104x64xf32, #tpu.memory_space<vmem>>
    %dma_start3A_21 = tpu.memref_squeeze %dma_start3A_20 : memref<1x1x104x64xf32, #tpu.memory_space<vmem>> -> memref<104x64xf32, #tpu.memory_space<vmem>>
    %dma_start3A_22 = arith.constant 0 : i32
    %dma_start3A_23 = tpu.memref_slice %arg5[%dma_start3A_15, %dma_start3A_22] : memref<32x104xi32, #tpu.memory_space<vmem>> -> memref<1x104xi32, #tpu.memory_space<vmem>>
    %dma_start3A_24 = tpu.memref_squeeze %dma_start3A_23 : memref<1x104xi32, #tpu.memory_space<vmem>> -> memref<104xi32, #tpu.memory_space<vmem>>
    %dma_start3A_25 = arith.constant 0 : i32
    %dma_start3A_26 = arith.constant 0 : i32
    %dma_start3A_27 = tpu.memref_slice %arg3[%dma_start3A_25, %dma_start3A_26] : memref<1000000x64xf32, #tpu.memory_space<hbm>> -> memref<1000000x64xf32, #tpu.memory_space<hbm>>
    tpu.enqueue_indirect_dma source(%dma_start3A_27 : memref<1000000x64xf32, #tpu.memory_space<hbm>>) target(%dma_start3A_21 : memref<104x64xf32, #tpu.memory_space<vmem>>) offsets(%dma_start3A_24 : memref<104xi32, #tpu.memory_space<vmem>>) semaphore(%arg7 : memref<!tpu.dma_semaphore, #tpu.memory_space<semaphore_mem>>)
    %dma_start3A_28 = arith.constant 2 : i32
    %dma_start3A_29 = arith.constant 0 : i32
    %dma_start3A_30 = arith.constant 2 : i32
    %dma_start3A_31 = arith.constant 0 : i32
    %dma_start3A_32 = arith.constant 0 : i32
    %dma_start3A_33 = tpu.memref_slice %arg6[%dma_start3A_29, %dma_start3A_30, %dma_start3A_31, %dma_start3A_32] : memref<2x4x104x64xf32, #tpu.memory_space<vmem>> -> memref<1x1x104x64xf32, #tpu.memory_space<vmem>>
    %dma_start3A_34 = tpu.memref_squeeze %dma_start3A_33 : memref<1x1x104x64xf32, #tpu.memory_space<vmem>> -> memref<104x64xf32, #tpu.memory_space<vmem>>
    %dma_start3A_35 = arith.constant 0 : i32
    %dma_start3A_36 = tpu.memref_slice %arg5[%dma_start3A_28, %dma_start3A_35] : memref<32x104xi32, #tpu.memory_space<vmem>> -> memref<1x104xi32, #tpu.memory_space<vmem>>
    %dma_start3A_37 = tpu.memref_squeeze %dma_start3A_36 : memref<1x104xi32, #tpu.memory_space<vmem>> -> memref<104xi32, #tpu.memory_space<vmem>>
    %dma_start3A_38 = arith.constant 0 : i32
    %dma_start3A_39 = arith.constant 0 : i32
    %dma_start3A_40 = tpu.memref_slice %arg3[%dma_start3A_38, %dma_start3A_39] : memref<1000000x64xf32, #tpu.memory_space<hbm>> -> memref<1000000x64xf32, #tpu.memory_space<hbm>>
    tpu.enqueue_indirect_dma source(%dma_start3A_40 : memref<1000000x64xf32, #tpu.memory_space<hbm>>) target(%dma_start3A_34 : memref<104x64xf32, #tpu.memory_space<vmem>>) offsets(%dma_start3A_37 : memref<104xi32, #tpu.memory_space<vmem>>) semaphore(%arg7 : memref<!tpu.dma_semaphore, #tpu.memory_space<semaphore_mem>>)
    %dma_start3A_41 = arith.constant 3 : i32
    %dma_start3A_42 = arith.constant 0 : i32
    %dma_start3A_43 = arith.constant 3 : i32
    %dma_start3A_44 = arith.constant 0 : i32
    %dma_start3A_45 = arith.constant 0 : i32
    %dma_start3A_46 = tpu.memref_slice %arg6[%dma_start3A_42, %dma_start3A_43, %dma_start3A_44, %dma_start3A_45] : memref<2x4x104x64xf32, #tpu.memory_space<vmem>> -> memref<1x1x104x64xf32, #tpu.memory_space<vmem>>
    %dma_start3A_47 = tpu.memref_squeeze %dma_start3A_46 : memref<1x1x104x64xf32, #tpu.memory_space<vmem>> -> memref<104x64xf32, #tpu.memory_space<vmem>>
    %dma_start3A_48 = arith.constant 0 : i32
    %dma_start3A_49 = tpu.memref_slice %arg5[%dma_start3A_41, %dma_start3A_48] : memref<32x104xi32, #tpu.memory_space<vmem>> -> memref<1x104xi32, #tpu.memory_space<vmem>>
    %dma_start3A_50 = tpu.memref_squeeze %dma_start3A_49 : memref<1x104xi32, #tpu.memory_space<vmem>> -> memref<104xi32, #tpu.memory_space<vmem>>
    %dma_start3A_51 = arith.constant 0 : i32
    %dma_start3A_52 = arith.constant 0 : i32
    %dma_start3A_53 = tpu.memref_slice %arg3[%dma_start3A_51, %dma_start3A_52] : memref<1000000x64xf32, #tpu.memory_space<hbm>> -> memref<1000000x64xf32, #tpu.memory_space<hbm>>
    tpu.enqueue_indirect_dma source(%dma_start3A_53 : memref<1000000x64xf32, #tpu.memory_space<hbm>>) target(%dma_start3A_47 : memref<104x64xf32, #tpu.memory_space<vmem>>) offsets(%dma_start3A_50 : memref<104xi32, #tpu.memory_space<vmem>>) semaphore(%arg7 : memref<!tpu.dma_semaphore, #tpu.memory_space<semaphore_mem>>)
    %scan3A = arith.constant 0 : i32
    %scan3A_54 = arith.constant 4 : i32
    %scan3A_55 = arith.addi %scan3A, %scan3A_54 : i32
    %scan3A_56 = arith.constant 1 : i32
    scf.for %scan3A_113 = %scan3A to %scan3A_55 step %scan3A_56  : i32 {
      %mul3A_114 = arith.constant 2 : i32
      %mul3A_115 = arith.muli %scan3A_113, %mul3A_114 : i32
      %add3A_116 = arith.constant 0 : i32
      %add3A_117 = arith.addi %add3A_116, %mul3A_115 : i32
      %add3A_118 = arith.constant 0 : i32
      %add3A_119 = arith.addi %add3A_117, %add3A_118 : i32
      %dma_wait3A_120 = arith.constant 0 : i32
      %dma_wait3A_121 = arith.constant 0 : i32
      %dma_wait3A_122 = arith.constant 0 : i32
      %dma_wait3A_123 = arith.constant 0 : i32
      %dma_wait3A_124 = tpu.memref_slice %arg6[%dma_wait3A_120, %dma_wait3A_121, %dma_wait3A_122, %dma_wait3A_123] : memref<2x4x104x64xf32, #tpu.memory_space<vmem>> -> memref<1x1x104x64xf32, #tpu.memory_space<vmem>>
      %dma_wait3A_125 = tpu.memref_squeeze %dma_wait3A_124 : memref<1x1x104x64xf32, #tpu.memory_space<vmem>> -> memref<104x64xf32, #tpu.memory_space<vmem>>
      %dma_wait3A_126 = arith.constant 0 : i32
      %dma_wait3A_127 = tpu.memref_slice %arg4[%mul3A_2, %dma_wait3A_126] : memref<106496x64xf32, #tpu.memory_space<hbm>> -> memref<104x64xf32, #tpu.memory_space<hbm>>
      %dma_wait3A_128 = arith.constant 0 : i32
      %dma_wait3A_129 = arith.constant 0 : i32
      %dma_wait3A_130 = tpu.memref_slice %arg6[%dma_wait3A_120, %dma_wait3A_121, %dma_wait3A_128, %dma_wait3A_129] : memref<2x4x104x64xf32, #tpu.memory_space<vmem>> -> memref<1x1x104x64xf32, #tpu.memory_space<vmem>>
      %dma_wait3A_131 = tpu.memref_squeeze %dma_wait3A_130 : memref<1x1x104x64xf32, #tpu.memory_space<vmem>> -> memref<104x64xf32, #tpu.memory_space<vmem>>
      %dma_wait3A_132 = arith.constant 0 : i32
      %dma_wait3A_133 = tpu.memref_slice %arg4[%mul3A_2, %dma_wait3A_132] : memref<106496x64xf32, #tpu.memory_space<hbm>> -> memref<104x64xf32, #tpu.memory_space<hbm>>
      tpu.wait_dma2 semaphore(%arg7 : memref<!tpu.dma_semaphore, #tpu.memory_space<semaphore_mem>>) src(%dma_wait3A_133 : memref<104x64xf32, #tpu.memory_space<hbm>>) dst(%dma_wait3A_131 : memref<104x64xf32, #tpu.memory_space<vmem>>)
      %dma_wait3A_134 = arith.constant 0 : i32
      %dma_wait3A_135 = arith.constant 1 : i32
      %dma_wait3A_136 = arith.constant 0 : i32
      %dma_wait3A_137 = arith.constant 0 : i32
      %dma_wait3A_138 = tpu.memref_slice %arg6[%dma_wait3A_134, %dma_wait3A_135, %dma_wait3A_136, %dma_wait3A_137] : memref<2x4x104x64xf32, #tpu.memory_space<vmem>> -> memref<1x1x104x64xf32, #tpu.memory_space<vmem>>
      %dma_wait3A_139 = tpu.memref_squeeze %dma_wait3A_138 : memref<1x1x104x64xf32, #tpu.memory_space<vmem>> -> memref<104x64xf32, #tpu.memory_space<vmem>>
      %dma_wait3A_140 = arith.constant 0 : i32
      %dma_wait3A_141 = tpu.memref_slice %arg4[%mul3A_2, %dma_wait3A_140] : memref<106496x64xf32, #tpu.memory_space<hbm>> -> memref<104x64xf32, #tpu.memory_space<hbm>>
      %dma_wait3A_142 = arith.constant 0 : i32
      %dma_wait3A_143 = arith.constant 0 : i32
      %dma_wait3A_144 = tpu.memref_slice %arg6[%dma_wait3A_134, %dma_wait3A_135, %dma_wait3A_142, %dma_wait3A_143] : memref<2x4x104x64xf32, #tpu.memory_space<vmem>> -> memref<1x1x104x64xf32, #tpu.memory_space<vmem>>
      %dma_wait3A_145 = tpu.memref_squeeze %dma_wait3A_144 : memref<1x1x104x64xf32, #tpu.memory_space<vmem>> -> memref<104x64xf32, #tpu.memory_space<vmem>>
      %dma_wait3A_146 = arith.constant 0 : i32
      %dma_wait3A_147 = tpu.memref_slice %arg4[%mul3A_2, %dma_wait3A_146] : memref<106496x64xf32, #tpu.memory_space<hbm>> -> memref<104x64xf32, #tpu.memory_space<hbm>>
      tpu.wait_dma2 semaphore(%arg7 : memref<!tpu.dma_semaphore, #tpu.memory_space<semaphore_mem>>) src(%dma_wait3A_147 : memref<104x64xf32, #tpu.memory_space<hbm>>) dst(%dma_wait3A_145 : memref<104x64xf32, #tpu.memory_space<vmem>>)
      %dma_wait3A_148 = arith.constant 0 : i32
      %dma_wait3A_149 = arith.constant 2 : i32
      %dma_wait3A_150 = arith.constant 0 : i32
      %dma_wait3A_151 = arith.constant 0 : i32
      %dma_wait3A_152 = tpu.memref_slice %arg6[%dma_wait3A_148, %dma_wait3A_149, %dma_wait3A_150, %dma_wait3A_151] : memref<2x4x104x64xf32, #tpu.memory_space<vmem>> -> memref<1x1x104x64xf32, #tpu.memory_space<vmem>>
      %dma_wait3A_153 = tpu.memref_squeeze %dma_wait3A_152 : memref<1x1x104x64xf32, #tpu.memory_space<vmem>> -> memref<104x64xf32, #tpu.memory_space<vmem>>
      %dma_wait3A_154 = arith.constant 0 : i32
      %dma_wait3A_155 = tpu.memref_slice %arg4[%mul3A_2, %dma_wait3A_154] : memref<106496x64xf32, #tpu.memory_space<hbm>> -> memref<104x64xf32, #tpu.memory_space<hbm>>
      %dma_wait3A_156 = arith.constant 0 : i32
      %dma_wait3A_157 = arith.constant 0 : i32
      %dma_wait3A_158 = tpu.memref_slice %arg6[%dma_wait3A_148, %dma_wait3A_149, %dma_wait3A_156, %dma_wait3A_157] : memref<2x4x104x64xf32, #tpu.memory_space<vmem>> -> memref<1x1x104x64xf32, #tpu.memory_space<vmem>>
      %dma_wait3A_159 = tpu.memref_squeeze %dma_wait3A_158 : memref<1x1x104x64xf32, #tpu.memory_space<vmem>> -> memref<104x64xf32, #tpu.memory_space<vmem>>
      %dma_wait3A_160 = arith.constant 0 : i32
      %dma_wait3A_161 = tpu.memref_slice %arg4[%mul3A_2, %dma_wait3A_160] : memref<106496x64xf32, #tpu.memory_space<hbm>> -> memref<104x64xf32, #tpu.memory_space<hbm>>
      tpu.wait_dma2 semaphore(%arg7 : memref<!tpu.dma_semaphore, #tpu.memory_space<semaphore_mem>>) src(%dma_wait3A_161 : memref<104x64xf32, #tpu.memory_space<hbm>>) dst(%dma_wait3A_159 : memref<104x64xf32, #tpu.memory_space<vmem>>)
      %dma_wait3A_162 = arith.constant 0 : i32
      %dma_wait3A_163 = arith.constant 3 : i32
      %dma_wait3A_164 = arith.constant 0 : i32
      %dma_wait3A_165 = arith.constant 0 : i32
      %dma_wait3A_166 = tpu.memref_slice %arg6[%dma_wait3A_162, %dma_wait3A_163, %dma_wait3A_164, %dma_wait3A_165] : memref<2x4x104x64xf32, #tpu.memory_space<vmem>> -> memref<1x1x104x64xf32, #tpu.memory_space<vmem>>
      %dma_wait3A_167 = tpu.memref_squeeze %dma_wait3A_166 : memref<1x1x104x64xf32, #tpu.memory_space<vmem>> -> memref<104x64xf32, #tpu.memory_space<vmem>>
      %dma_wait3A_168 = arith.constant 0 : i32
      %dma_wait3A_169 = tpu.memref_slice %arg4[%mul3A_2, %dma_wait3A_168] : memref<106496x64xf32, #tpu.memory_space<hbm>> -> memref<104x64xf32, #tpu.memory_space<hbm>>
      %dma_wait3A_170 = arith.constant 0 : i32
      %dma_wait3A_171 = arith.constant 0 : i32
      %dma_wait3A_172 = tpu.memref_slice %arg6[%dma_wait3A_162, %dma_wait3A_163, %dma_wait3A_170, %dma_wait3A_171] : memref<2x4x104x64xf32, #tpu.memory_space<vmem>> -> memref<1x1x104x64xf32, #tpu.memory_space<vmem>>
      %dma_wait3A_173 = tpu.memref_squeeze %dma_wait3A_172 : memref<1x1x104x64xf32, #tpu.memory_space<vmem>> -> memref<104x64xf32, #tpu.memory_space<vmem>>
      %dma_wait3A_174 = arith.constant 0 : i32
      %dma_wait3A_175 = tpu.memref_slice %arg4[%mul3A_2, %dma_wait3A_174] : memref<106496x64xf32, #tpu.memory_space<hbm>> -> memref<104x64xf32, #tpu.memory_space<hbm>>
      tpu.wait_dma2 semaphore(%arg7 : memref<!tpu.dma_semaphore, #tpu.memory_space<semaphore_mem>>) src(%dma_wait3A_175 : memref<104x64xf32, #tpu.memory_space<hbm>>) dst(%dma_wait3A_173 : memref<104x64xf32, #tpu.memory_space<vmem>>)
      %ge3A = arith.constant 1 : i32
      %ge3A_176 = arith.cmpi sge, %add3A_119, %ge3A : i32
      %convert_element_type3A = arith.extui %ge3A_176 : i1 to i32
      %cond3A = arith.constant 0 : i32
      %cond3A_177 = arith.cmpi ne, %convert_element_type3A, %cond3A : i32
      scf.if %cond3A_177 {
        %dma_wait3A_422 = arith.constant 1 : i32
        %dma_wait3A_423 = arith.constant 0 : i32
        %dma_wait3A_424 = arith.constant 0 : i32
        %dma_wait3A_425 = arith.constant 0 : i32
        %dma_wait3A_426 = tpu.memref_slice %arg6[%dma_wait3A_422, %dma_wait3A_423, %dma_wait3A_424, %dma_wait3A_425] : memref<2x4x104x64xf32, #tpu.memory_space<vmem>> -> memref<1x1x104x64xf32, #tpu.memory_space<vmem>>
        %dma_wait3A_427 = tpu.memref_squeeze %dma_wait3A_426 : memref<1x1x104x64xf32, #tpu.memory_space<vmem>> -> memref<104x64xf32, #tpu.memory_space<vmem>>
        %dma_wait3A_428 = arith.constant 0 : i32
        %dma_wait3A_429 = tpu.memref_slice %arg4[%mul3A_2, %dma_wait3A_428] : memref<106496x64xf32, #tpu.memory_space<hbm>> -> memref<104x64xf32, #tpu.memory_space<hbm>>
        %dma_wait3A_430 = arith.constant 0 : i32
        %dma_wait3A_431 = arith.constant 0 : i32
        %dma_wait3A_432 = tpu.memref_slice %arg6[%dma_wait3A_422, %dma_wait3A_423, %dma_wait3A_430, %dma_wait3A_431] : memref<2x4x104x64xf32, #tpu.memory_space<vmem>> -> memref<1x1x104x64xf32, #tpu.memory_space<vmem>>
        %dma_wait3A_433 = tpu.memref_squeeze %dma_wait3A_432 : memref<1x1x104x64xf32, #tpu.memory_space<vmem>> -> memref<104x64xf32, #tpu.memory_space<vmem>>
        %dma_wait3A_434 = arith.constant 0 : i32
        %dma_wait3A_435 = tpu.memref_slice %arg4[%mul3A_2, %dma_wait3A_434] : memref<106496x64xf32, #tpu.memory_space<hbm>> -> memref<104x64xf32, #tpu.memory_space<hbm>>
        tpu.wait_dma2 semaphore(%arg8 : memref<!tpu.dma_semaphore, #tpu.memory_space<semaphore_mem>>) src(%dma_wait3A_435 : memref<104x64xf32, #tpu.memory_space<hbm>>) dst(%dma_wait3A_433 : memref<104x64xf32, #tpu.memory_space<vmem>>)
        %dma_wait3A_436 = arith.constant 1 : i32
        %dma_wait3A_437 = arith.constant 1 : i32
        %dma_wait3A_438 = arith.constant 0 : i32
        %dma_wait3A_439 = arith.constant 0 : i32
        %dma_wait3A_440 = tpu.memref_slice %arg6[%dma_wait3A_436, %dma_wait3A_437, %dma_wait3A_438, %dma_wait3A_439] : memref<2x4x104x64xf32, #tpu.memory_space<vmem>> -> memref<1x1x104x64xf32, #tpu.memory_space<vmem>>
        %dma_wait3A_441 = tpu.memref_squeeze %dma_wait3A_440 : memref<1x1x104x64xf32, #tpu.memory_space<vmem>> -> memref<104x64xf32, #tpu.memory_space<vmem>>
        %dma_wait3A_442 = arith.constant 0 : i32
        %dma_wait3A_443 = tpu.memref_slice %arg4[%mul3A_2, %dma_wait3A_442] : memref<106496x64xf32, #tpu.memory_space<hbm>> -> memref<104x64xf32, #tpu.memory_space<hbm>>
        %dma_wait3A_444 = arith.constant 0 : i32
        %dma_wait3A_445 = arith.constant 0 : i32
        %dma_wait3A_446 = tpu.memref_slice %arg6[%dma_wait3A_436, %dma_wait3A_437, %dma_wait3A_444, %dma_wait3A_445] : memref<2x4x104x64xf32, #tpu.memory_space<vmem>> -> memref<1x1x104x64xf32, #tpu.memory_space<vmem>>
        %dma_wait3A_447 = tpu.memref_squeeze %dma_wait3A_446 : memref<1x1x104x64xf32, #tpu.memory_space<vmem>> -> memref<104x64xf32, #tpu.memory_space<vmem>>
        %dma_wait3A_448 = arith.constant 0 : i32
        %dma_wait3A_449 = tpu.memref_slice %arg4[%mul3A_2, %dma_wait3A_448] : memref<106496x64xf32, #tpu.memory_space<hbm>> -> memref<104x64xf32, #tpu.memory_space<hbm>>
        tpu.wait_dma2 semaphore(%arg8 : memref<!tpu.dma_semaphore, #tpu.memory_space<semaphore_mem>>) src(%dma_wait3A_449 : memref<104x64xf32, #tpu.memory_space<hbm>>) dst(%dma_wait3A_447 : memref<104x64xf32, #tpu.memory_space<vmem>>)
        %dma_wait3A_450 = arith.constant 1 : i32
        %dma_wait3A_451 = arith.constant 2 : i32
        %dma_wait3A_452 = arith.constant 0 : i32
        %dma_wait3A_453 = arith.constant 0 : i32
        %dma_wait3A_454 = tpu.memref_slice %arg6[%dma_wait3A_450, %dma_wait3A_451, %dma_wait3A_452, %dma_wait3A_453] : memref<2x4x104x64xf32, #tpu.memory_space<vmem>> -> memref<1x1x104x64xf32, #tpu.memory_space<vmem>>
        %dma_wait3A_455 = tpu.memref_squeeze %dma_wait3A_454 : memref<1x1x104x64xf32, #tpu.memory_space<vmem>> -> memref<104x64xf32, #tpu.memory_space<vmem>>
        %dma_wait3A_456 = arith.constant 0 : i32
        %dma_wait3A_457 = tpu.memref_slice %arg4[%mul3A_2, %dma_wait3A_456] : memref<106496x64xf32, #tpu.memory_space<hbm>> -> memref<104x64xf32, #tpu.memory_space<hbm>>
        %dma_wait3A_458 = arith.constant 0 : i32
        %dma_wait3A_459 = arith.constant 0 : i32
        %dma_wait3A_460 = tpu.memref_slice %arg6[%dma_wait3A_450, %dma_wait3A_451, %dma_wait3A_458, %dma_wait3A_459] : memref<2x4x104x64xf32, #tpu.memory_space<vmem>> -> memref<1x1x104x64xf32, #tpu.memory_space<vmem>>
        %dma_wait3A_461 = tpu.memref_squeeze %dma_wait3A_460 : memref<1x1x104x64xf32, #tpu.memory_space<vmem>> -> memref<104x64xf32, #tpu.memory_space<vmem>>
        %dma_wait3A_462 = arith.constant 0 : i32
        %dma_wait3A_463 = tpu.memref_slice %arg4[%mul3A_2, %dma_wait3A_462] : memref<106496x64xf32, #tpu.memory_space<hbm>> -> memref<104x64xf32, #tpu.memory_space<hbm>>
        tpu.wait_dma2 semaphore(%arg8 : memref<!tpu.dma_semaphore, #tpu.memory_space<semaphore_mem>>) src(%dma_wait3A_463 : memref<104x64xf32, #tpu.memory_space<hbm>>) dst(%dma_wait3A_461 : memref<104x64xf32, #tpu.memory_space<vmem>>)
        %dma_wait3A_464 = arith.constant 1 : i32
        %dma_wait3A_465 = arith.constant 3 : i32
        %dma_wait3A_466 = arith.constant 0 : i32
        %dma_wait3A_467 = arith.constant 0 : i32
        %dma_wait3A_468 = tpu.memref_slice %arg6[%dma_wait3A_464, %dma_wait3A_465, %dma_wait3A_466, %dma_wait3A_467] : memref<2x4x104x64xf32, #tpu.memory_space<vmem>> -> memref<1x1x104x64xf32, #tpu.memory_space<vmem>>
        %dma_wait3A_469 = tpu.memref_squeeze %dma_wait3A_468 : memref<1x1x104x64xf32, #tpu.memory_space<vmem>> -> memref<104x64xf32, #tpu.memory_space<vmem>>
        %dma_wait3A_470 = arith.constant 0 : i32
        %dma_wait3A_471 = tpu.memref_slice %arg4[%mul3A_2, %dma_wait3A_470] : memref<106496x64xf32, #tpu.memory_space<hbm>> -> memref<104x64xf32, #tpu.memory_space<hbm>>
        %dma_wait3A_472 = arith.constant 0 : i32
        %dma_wait3A_473 = arith.constant 0 : i32
        %dma_wait3A_474 = tpu.memref_slice %arg6[%dma_wait3A_464, %dma_wait3A_465, %dma_wait3A_472, %dma_wait3A_473] : memref<2x4x104x64xf32, #tpu.memory_space<vmem>> -> memref<1x1x104x64xf32, #tpu.memory_space<vmem>>
        %dma_wait3A_475 = tpu.memref_squeeze %dma_wait3A_474 : memref<1x1x104x64xf32, #tpu.memory_space<vmem>> -> memref<104x64xf32, #tpu.memory_space<vmem>>
        %dma_wait3A_476 = arith.constant 0 : i32
        %dma_wait3A_477 = tpu.memref_slice %arg4[%mul3A_2, %dma_wait3A_476] : memref<106496x64xf32, #tpu.memory_space<hbm>> -> memref<104x64xf32, #tpu.memory_space<hbm>>
        tpu.wait_dma2 semaphore(%arg8 : memref<!tpu.dma_semaphore, #tpu.memory_space<semaphore_mem>>) src(%dma_wait3A_477 : memref<104x64xf32, #tpu.memory_space<hbm>>) dst(%dma_wait3A_475 : memref<104x64xf32, #tpu.memory_space<vmem>>)
      } else {
      }
      %add3A_178 = arith.constant 1 : i32
      %add3A_179 = arith.addi %add3A_119, %add3A_178 : i32
      %lt3A = arith.constant 8 : i32
      %lt3A_180 = arith.cmpi slt, %add3A_179, %lt3A : i32
      %convert_element_type3A_181 = arith.extui %lt3A_180 : i1 to i32
      %cond3A_182 = arith.constant 0 : i32
      %cond3A_183 = arith.cmpi ne, %convert_element_type3A_181, %cond3A_182 : i32
      scf.if %cond3A_183 {
        %add3A_422 = arith.constant 1 : i32
        %add3A_423 = arith.addi %add3A_119, %add3A_422 : i32
        %mul3A_424 = arith.constant 4 : i32
        %mul3A_425 = arith.muli %add3A_423, %mul3A_424 : i32
        %add3A_426 = arith.constant 0 : i32
        %add3A_427 = arith.addi %mul3A_425, %add3A_426 : i32
        %dma_start3A_428 = arith.constant 1 : i32
        %dma_start3A_429 = arith.constant 0 : i32
        %dma_start3A_430 = arith.constant 0 : i32
        %dma_start3A_431 = arith.constant 0 : i32
        %dma_start3A_432 = tpu.memref_slice %arg6[%dma_start3A_428, %dma_start3A_429, %dma_start3A_430, %dma_start3A_431] : memref<2x4x104x64xf32, #tpu.memory_space<vmem>> -> memref<1x1x104x64xf32, #tpu.memory_space<vmem>>
        %dma_start3A_433 = tpu.memref_squeeze %dma_start3A_432 : memref<1x1x104x64xf32, #tpu.memory_space<vmem>> -> memref<104x64xf32, #tpu.memory_space<vmem>>
        %dma_start3A_434 = arith.constant 0 : i32
        %dma_start3A_435 = tpu.memref_slice %arg5[%add3A_427, %dma_start3A_434] : memref<32x104xi32, #tpu.memory_space<vmem>> -> memref<1x104xi32, #tpu.memory_space<vmem>>
        %dma_start3A_436 = tpu.memref_squeeze %dma_start3A_435 : memref<1x104xi32, #tpu.memory_space<vmem>> -> memref<104xi32, #tpu.memory_space<vmem>>
        %dma_start3A_437 = arith.constant 0 : i32
        %dma_start3A_438 = arith.constant 0 : i32
        %dma_start3A_439 = tpu.memref_slice %arg3[%dma_start3A_437, %dma_start3A_438] : memref<1000000x64xf32, #tpu.memory_space<hbm>> -> memref<1000000x64xf32, #tpu.memory_space<hbm>>
        tpu.enqueue_indirect_dma source(%dma_start3A_439 : memref<1000000x64xf32, #tpu.memory_space<hbm>>) target(%dma_start3A_433 : memref<104x64xf32, #tpu.memory_space<vmem>>) offsets(%dma_start3A_436 : memref<104xi32, #tpu.memory_space<vmem>>) semaphore(%arg7 : memref<!tpu.dma_semaphore, #tpu.memory_space<semaphore_mem>>)
        %mul3A_440 = arith.constant 4 : i32
        %mul3A_441 = arith.muli %add3A_423, %mul3A_440 : i32
        %add3A_442 = arith.constant 1 : i32
        %add3A_443 = arith.addi %mul3A_441, %add3A_442 : i32
        %dma_start3A_444 = arith.constant 1 : i32
        %dma_start3A_445 = arith.constant 1 : i32
        %dma_start3A_446 = arith.constant 0 : i32
        %dma_start3A_447 = arith.constant 0 : i32
        %dma_start3A_448 = tpu.memref_slice %arg6[%dma_start3A_444, %dma_start3A_445, %dma_start3A_446, %dma_start3A_447] : memref<2x4x104x64xf32, #tpu.memory_space<vmem>> -> memref<1x1x104x64xf32, #tpu.memory_space<vmem>>
        %dma_start3A_449 = tpu.memref_squeeze %dma_start3A_448 : memref<1x1x104x64xf32, #tpu.memory_space<vmem>> -> memref<104x64xf32, #tpu.memory_space<vmem>>
        %dma_start3A_450 = arith.constant 0 : i32
        %dma_start3A_451 = tpu.memref_slice %arg5[%add3A_443, %dma_start3A_450] : memref<32x104xi32, #tpu.memory_space<vmem>> -> memref<1x104xi32, #tpu.memory_space<vmem>>
        %dma_start3A_452 = tpu.memref_squeeze %dma_start3A_451 : memref<1x104xi32, #tpu.memory_space<vmem>> -> memref<104xi32, #tpu.memory_space<vmem>>
        %dma_start3A_453 = arith.constant 0 : i32
        %dma_start3A_454 = arith.constant 0 : i32
        %dma_start3A_455 = tpu.memref_slice %arg3[%dma_start3A_453, %dma_start3A_454] : memref<1000000x64xf32, #tpu.memory_space<hbm>> -> memref<1000000x64xf32, #tpu.memory_space<hbm>>
        tpu.enqueue_indirect_dma source(%dma_start3A_455 : memref<1000000x64xf32, #tpu.memory_space<hbm>>) target(%dma_start3A_449 : memref<104x64xf32, #tpu.memory_space<vmem>>) offsets(%dma_start3A_452 : memref<104xi32, #tpu.memory_space<vmem>>) semaphore(%arg7 : memref<!tpu.dma_semaphore, #tpu.memory_space<semaphore_mem>>)
        %mul3A_456 = arith.constant 4 : i32
        %mul3A_457 = arith.muli %add3A_423, %mul3A_456 : i32
        %add3A_458 = arith.constant 2 : i32
        %add3A_459 = arith.addi %mul3A_457, %add3A_458 : i32
        %dma_start3A_460 = arith.constant 1 : i32
        %dma_start3A_461 = arith.constant 2 : i32
        %dma_start3A_462 = arith.constant 0 : i32
        %dma_start3A_463 = arith.constant 0 : i32
        %dma_start3A_464 = tpu.memref_slice %arg6[%dma_start3A_460, %dma_start3A_461, %dma_start3A_462, %dma_start3A_463] : memref<2x4x104x64xf32, #tpu.memory_space<vmem>> -> memref<1x1x104x64xf32, #tpu.memory_space<vmem>>
        %dma_start3A_465 = tpu.memref_squeeze %dma_start3A_464 : memref<1x1x104x64xf32, #tpu.memory_space<vmem>> -> memref<104x64xf32, #tpu.memory_space<vmem>>
        %dma_start3A_466 = arith.constant 0 : i32
        %dma_start3A_467 = tpu.memref_slice %arg5[%add3A_459, %dma_start3A_466] : memref<32x104xi32, #tpu.memory_space<vmem>> -> memref<1x104xi32, #tpu.memory_space<vmem>>
        %dma_start3A_468 = tpu.memref_squeeze %dma_start3A_467 : memref<1x104xi32, #tpu.memory_space<vmem>> -> memref<104xi32, #tpu.memory_space<vmem>>
        %dma_start3A_469 = arith.constant 0 : i32
        %dma_start3A_470 = arith.constant 0 : i32
        %dma_start3A_471 = tpu.memref_slice %arg3[%dma_start3A_469, %dma_start3A_470] : memref<1000000x64xf32, #tpu.memory_space<hbm>> -> memref<1000000x64xf32, #tpu.memory_space<hbm>>
        tpu.enqueue_indirect_dma source(%dma_start3A_471 : memref<1000000x64xf32, #tpu.memory_space<hbm>>) target(%dma_start3A_465 : memref<104x64xf32, #tpu.memory_space<vmem>>) offsets(%dma_start3A_468 : memref<104xi32, #tpu.memory_space<vmem>>) semaphore(%arg7 : memref<!tpu.dma_semaphore, #tpu.memory_space<semaphore_mem>>)
        %mul3A_472 = arith.constant 4 : i32
        %mul3A_473 = arith.muli %add3A_423, %mul3A_472 : i32
        %add3A_474 = arith.constant 3 : i32
        %add3A_475 = arith.addi %mul3A_473, %add3A_474 : i32
        %dma_start3A_476 = arith.constant 1 : i32
        %dma_start3A_477 = arith.constant 3 : i32
        %dma_start3A_478 = arith.constant 0 : i32
        %dma_start3A_479 = arith.constant 0 : i32
        %dma_start3A_480 = tpu.memref_slice %arg6[%dma_start3A_476, %dma_start3A_477, %dma_start3A_478, %dma_start3A_479] : memref<2x4x104x64xf32, #tpu.memory_space<vmem>> -> memref<1x1x104x64xf32, #tpu.memory_space<vmem>>
        %dma_start3A_481 = tpu.memref_squeeze %dma_start3A_480 : memref<1x1x104x64xf32, #tpu.memory_space<vmem>> -> memref<104x64xf32, #tpu.memory_space<vmem>>
        %dma_start3A_482 = arith.constant 0 : i32
        %dma_start3A_483 = tpu.memref_slice %arg5[%add3A_475, %dma_start3A_482] : memref<32x104xi32, #tpu.memory_space<vmem>> -> memref<1x104xi32, #tpu.memory_space<vmem>>
        %dma_start3A_484 = tpu.memref_squeeze %dma_start3A_483 : memref<1x104xi32, #tpu.memory_space<vmem>> -> memref<104xi32, #tpu.memory_space<vmem>>
        %dma_start3A_485 = arith.constant 0 : i32
        %dma_start3A_486 = arith.constant 0 : i32
        %dma_start3A_487 = tpu.memref_slice %arg3[%dma_start3A_485, %dma_start3A_486] : memref<1000000x64xf32, #tpu.memory_space<hbm>> -> memref<1000000x64xf32, #tpu.memory_space<hbm>>
        tpu.enqueue_indirect_dma source(%dma_start3A_487 : memref<1000000x64xf32, #tpu.memory_space<hbm>>) target(%dma_start3A_481 : memref<104x64xf32, #tpu.memory_space<vmem>>) offsets(%dma_start3A_484 : memref<104xi32, #tpu.memory_space<vmem>>) semaphore(%arg7 : memref<!tpu.dma_semaphore, #tpu.memory_space<semaphore_mem>>)
      } else {
      }
      %mul3A_184 = arith.constant 4 : i32
      %mul3A_185 = arith.muli %add3A_119, %mul3A_184 : i32
      %add3A_186 = arith.constant 0 : i32
      %add3A_187 = arith.addi %mul3A_185, %add3A_186 : i32
      %mul3A_188 = arith.constant 104 : i32
      %mul3A_189 = arith.muli %add3A_187, %mul3A_188 : i32
      %add3A_190 = arith.addi %mul3A_2, %mul3A_189 : i32
      %dma_start3A_191 = arith.constant 0 : i32
      %dma_start3A_192 = arith.constant 0 : i32
      %dma_start3A_193 = arith.constant 0 : i32
      %dma_start3A_194 = arith.constant 0 : i32
      %dma_start3A_195 = tpu.memref_slice %arg6[%dma_start3A_191, %dma_start3A_192, %dma_start3A_193, %dma_start3A_194] : memref<2x4x104x64xf32, #tpu.memory_space<vmem>> -> memref<1x1x104x64xf32, #tpu.memory_space<vmem>>
      %dma_start3A_196 = tpu.memref_squeeze %dma_start3A_195 : memref<1x1x104x64xf32, #tpu.memory_space<vmem>> -> memref<104x64xf32, #tpu.memory_space<vmem>>
      %dma_start3A_197 = arith.constant 0 : i32
      %dma_start3A_198 = tpu.memref_slice %arg4[%add3A_190, %dma_start3A_197] : memref<106496x64xf32, #tpu.memory_space<hbm>> -> memref<104x64xf32, #tpu.memory_space<hbm>>
      %dma_start3A_199 = arith.constant 0 : i32
      %dma_start3A_200 = tpu.memref_slice %arg4[%add3A_190, %dma_start3A_199] : memref<106496x64xf32, #tpu.memory_space<hbm>> -> memref<104x64xf32, #tpu.memory_space<hbm>>
      %dma_start3A_201 = arith.constant 0 : i32
      %dma_start3A_202 = arith.constant 0 : i32
      %dma_start3A_203 = tpu.memref_slice %arg6[%dma_start3A_191, %dma_start3A_192, %dma_start3A_201, %dma_start3A_202] : memref<2x4x104x64xf32, #tpu.memory_space<vmem>> -> memref<1x1x104x64xf32, #tpu.memory_space<vmem>>
      %dma_start3A_204 = tpu.memref_squeeze %dma_start3A_203 : memref<1x1x104x64xf32, #tpu.memory_space<vmem>> -> memref<104x64xf32, #tpu.memory_space<vmem>>
      tpu.enqueue_dma source(%dma_start3A_204 : memref<104x64xf32, #tpu.memory_space<vmem>>) target(%dma_start3A_200 : memref<104x64xf32, #tpu.memory_space<hbm>>) target_semaphore(%arg8 : memref<!tpu.dma_semaphore, #tpu.memory_space<semaphore_mem>>)
      %mul3A_205 = arith.constant 4 : i32
      %mul3A_206 = arith.muli %add3A_119, %mul3A_205 : i32
      %add3A_207 = arith.constant 1 : i32
      %add3A_208 = arith.addi %mul3A_206, %add3A_207 : i32
      %mul3A_209 = arith.constant 104 : i32
      %mul3A_210 = arith.muli %add3A_208, %mul3A_209 : i32
      %add3A_211 = arith.addi %mul3A_2, %mul3A_210 : i32
      %dma_start3A_212 = arith.constant 0 : i32
      %dma_start3A_213 = arith.constant 1 : i32
      %dma_start3A_214 = arith.constant 0 : i32
      %dma_start3A_215 = arith.constant 0 : i32
      %dma_start3A_216 = tpu.memref_slice %arg6[%dma_start3A_212, %dma_start3A_213, %dma_start3A_214, %dma_start3A_215] : memref<2x4x104x64xf32, #tpu.memory_space<vmem>> -> memref<1x1x104x64xf32, #tpu.memory_space<vmem>>
      %dma_start3A_217 = tpu.memref_squeeze %dma_start3A_216 : memref<1x1x104x64xf32, #tpu.memory_space<vmem>> -> memref<104x64xf32, #tpu.memory_space<vmem>>
      %dma_start3A_218 = arith.constant 0 : i32
      %dma_start3A_219 = tpu.memref_slice %arg4[%add3A_211, %dma_start3A_218] : memref<106496x64xf32, #tpu.memory_space<hbm>> -> memref<104x64xf32, #tpu.memory_space<hbm>>
      %dma_start3A_220 = arith.constant 0 : i32
      %dma_start3A_221 = tpu.memref_slice %arg4[%add3A_211, %dma_start3A_220] : memref<106496x64xf32, #tpu.memory_space<hbm>> -> memref<104x64xf32, #tpu.memory_space<hbm>>
      %dma_start3A_222 = arith.constant 0 : i32
      %dma_start3A_223 = arith.constant 0 : i32
      %dma_start3A_224 = tpu.memref_slice %arg6[%dma_start3A_212, %dma_start3A_213, %dma_start3A_222, %dma_start3A_223] : memref<2x4x104x64xf32, #tpu.memory_space<vmem>> -> memref<1x1x104x64xf32, #tpu.memory_space<vmem>>
      %dma_start3A_225 = tpu.memref_squeeze %dma_start3A_224 : memref<1x1x104x64xf32, #tpu.memory_space<vmem>> -> memref<104x64xf32, #tpu.memory_space<vmem>>
      tpu.enqueue_dma source(%dma_start3A_225 : memref<104x64xf32, #tpu.memory_space<vmem>>) target(%dma_start3A_221 : memref<104x64xf32, #tpu.memory_space<hbm>>) target_semaphore(%arg8 : memref<!tpu.dma_semaphore, #tpu.memory_space<semaphore_mem>>)
      %mul3A_226 = arith.constant 4 : i32
      %mul3A_227 = arith.muli %add3A_119, %mul3A_226 : i32
      %add3A_228 = arith.constant 2 : i32
      %add3A_229 = arith.addi %mul3A_227, %add3A_228 : i32
      %mul3A_230 = arith.constant 104 : i32
      %mul3A_231 = arith.muli %add3A_229, %mul3A_230 : i32
      %add3A_232 = arith.addi %mul3A_2, %mul3A_231 : i32
      %dma_start3A_233 = arith.constant 0 : i32
      %dma_start3A_234 = arith.constant 2 : i32
      %dma_start3A_235 = arith.constant 0 : i32
      %dma_start3A_236 = arith.constant 0 : i32
      %dma_start3A_237 = tpu.memref_slice %arg6[%dma_start3A_233, %dma_start3A_234, %dma_start3A_235, %dma_start3A_236] : memref<2x4x104x64xf32, #tpu.memory_space<vmem>> -> memref<1x1x104x64xf32, #tpu.memory_space<vmem>>
      %dma_start3A_238 = tpu.memref_squeeze %dma_start3A_237 : memref<1x1x104x64xf32, #tpu.memory_space<vmem>> -> memref<104x64xf32, #tpu.memory_space<vmem>>
      %dma_start3A_239 = arith.constant 0 : i32
      %dma_start3A_240 = tpu.memref_slice %arg4[%add3A_232, %dma_start3A_239] : memref<106496x64xf32, #tpu.memory_space<hbm>> -> memref<104x64xf32, #tpu.memory_space<hbm>>
      %dma_start3A_241 = arith.constant 0 : i32
      %dma_start3A_242 = tpu.memref_slice %arg4[%add3A_232, %dma_start3A_241] : memref<106496x64xf32, #tpu.memory_space<hbm>> -> memref<104x64xf32, #tpu.memory_space<hbm>>
      %dma_start3A_243 = arith.constant 0 : i32
      %dma_start3A_244 = arith.constant 0 : i32
      %dma_start3A_245 = tpu.memref_slice %arg6[%dma_start3A_233, %dma_start3A_234, %dma_start3A_243, %dma_start3A_244] : memref<2x4x104x64xf32, #tpu.memory_space<vmem>> -> memref<1x1x104x64xf32, #tpu.memory_space<vmem>>
      %dma_start3A_246 = tpu.memref_squeeze %dma_start3A_245 : memref<1x1x104x64xf32, #tpu.memory_space<vmem>> -> memref<104x64xf32, #tpu.memory_space<vmem>>
      tpu.enqueue_dma source(%dma_start3A_246 : memref<104x64xf32, #tpu.memory_space<vmem>>) target(%dma_start3A_242 : memref<104x64xf32, #tpu.memory_space<hbm>>) target_semaphore(%arg8 : memref<!tpu.dma_semaphore, #tpu.memory_space<semaphore_mem>>)
      %mul3A_247 = arith.constant 4 : i32
      %mul3A_248 = arith.muli %add3A_119, %mul3A_247 : i32
      %add3A_249 = arith.constant 3 : i32
      %add3A_250 = arith.addi %mul3A_248, %add3A_249 : i32
      %mul3A_251 = arith.constant 104 : i32
      %mul3A_252 = arith.muli %add3A_250, %mul3A_251 : i32
      %add3A_253 = arith.addi %mul3A_2, %mul3A_252 : i32
      %dma_start3A_254 = arith.constant 0 : i32
      %dma_start3A_255 = arith.constant 3 : i32
      %dma_start3A_256 = arith.constant 0 : i32
      %dma_start3A_257 = arith.constant 0 : i32
      %dma_start3A_258 = tpu.memref_slice %arg6[%dma_start3A_254, %dma_start3A_255, %dma_start3A_256, %dma_start3A_257] : memref<2x4x104x64xf32, #tpu.memory_space<vmem>> -> memref<1x1x104x64xf32, #tpu.memory_space<vmem>>
      %dma_start3A_259 = tpu.memref_squeeze %dma_start3A_258 : memref<1x1x104x64xf32, #tpu.memory_space<vmem>> -> memref<104x64xf32, #tpu.memory_space<vmem>>
      %dma_start3A_260 = arith.constant 0 : i32
      %dma_start3A_261 = tpu.memref_slice %arg4[%add3A_253, %dma_start3A_260] : memref<106496x64xf32, #tpu.memory_space<hbm>> -> memref<104x64xf32, #tpu.memory_space<hbm>>
      %dma_start3A_262 = arith.constant 0 : i32
      %dma_start3A_263 = tpu.memref_slice %arg4[%add3A_253, %dma_start3A_262] : memref<106496x64xf32, #tpu.memory_space<hbm>> -> memref<104x64xf32, #tpu.memory_space<hbm>>
      %dma_start3A_264 = arith.constant 0 : i32
      %dma_start3A_265 = arith.constant 0 : i32
      %dma_start3A_266 = tpu.memref_slice %arg6[%dma_start3A_254, %dma_start3A_255, %dma_start3A_264, %dma_start3A_265] : memref<2x4x104x64xf32, #tpu.memory_space<vmem>> -> memref<1x1x104x64xf32, #tpu.memory_space<vmem>>
      %dma_start3A_267 = tpu.memref_squeeze %dma_start3A_266 : memref<1x1x104x64xf32, #tpu.memory_space<vmem>> -> memref<104x64xf32, #tpu.memory_space<vmem>>
      tpu.enqueue_dma source(%dma_start3A_267 : memref<104x64xf32, #tpu.memory_space<vmem>>) target(%dma_start3A_263 : memref<104x64xf32, #tpu.memory_space<hbm>>) target_semaphore(%arg8 : memref<!tpu.dma_semaphore, #tpu.memory_space<semaphore_mem>>)
      %add3A_268 = arith.constant 1 : i32
      %add3A_269 = arith.addi %add3A_117, %add3A_268 : i32
      %dma_wait3A_270 = arith.constant 1 : i32
      %dma_wait3A_271 = arith.constant 0 : i32
      %dma_wait3A_272 = arith.constant 0 : i32
      %dma_wait3A_273 = arith.constant 0 : i32
      %dma_wait3A_274 = tpu.memref_slice %arg6[%dma_wait3A_270, %dma_wait3A_271, %dma_wait3A_272, %dma_wait3A_273] : memref<2x4x104x64xf32, #tpu.memory_space<vmem>> -> memref<1x1x104x64xf32, #tpu.memory_space<vmem>>
      %dma_wait3A_275 = tpu.memref_squeeze %dma_wait3A_274 : memref<1x1x104x64xf32, #tpu.memory_space<vmem>> -> memref<104x64xf32, #tpu.memory_space<vmem>>
      %dma_wait3A_276 = arith.constant 0 : i32
      %dma_wait3A_277 = tpu.memref_slice %arg4[%mul3A_2, %dma_wait3A_276] : memref<106496x64xf32, #tpu.memory_space<hbm>> -> memref<104x64xf32, #tpu.memory_space<hbm>>
      %dma_wait3A_278 = arith.constant 0 : i32
      %dma_wait3A_279 = arith.constant 0 : i32
      %dma_wait3A_280 = tpu.memref_slice %arg6[%dma_wait3A_270, %dma_wait3A_271, %dma_wait3A_278, %dma_wait3A_279] : memref<2x4x104x64xf32, #tpu.memory_space<vmem>> -> memref<1x1x104x64xf32, #tpu.memory_space<vmem>>
      %dma_wait3A_281 = tpu.memref_squeeze %dma_wait3A_280 : memref<1x1x104x64xf32, #tpu.memory_space<vmem>> -> memref<104x64xf32, #tpu.memory_space<vmem>>
      %dma_wait3A_282 = arith.constant 0 : i32
      %dma_wait3A_283 = tpu.memref_slice %arg4[%mul3A_2, %dma_wait3A_282] : memref<106496x64xf32, #tpu.memory_space<hbm>> -> memref<104x64xf32, #tpu.memory_space<hbm>>
      tpu.wait_dma2 semaphore(%arg7 : memref<!tpu.dma_semaphore, #tpu.memory_space<semaphore_mem>>) src(%dma_wait3A_283 : memref<104x64xf32, #tpu.memory_space<hbm>>) dst(%dma_wait3A_281 : memref<104x64xf32, #tpu.memory_space<vmem>>)
      %dma_wait3A_284 = arith.constant 1 : i32
      %dma_wait3A_285 = arith.constant 1 : i32
      %dma_wait3A_286 = arith.constant 0 : i32
      %dma_wait3A_287 = arith.constant 0 : i32
      %dma_wait3A_288 = tpu.memref_slice %arg6[%dma_wait3A_284, %dma_wait3A_285, %dma_wait3A_286, %dma_wait3A_287] : memref<2x4x104x64xf32, #tpu.memory_space<vmem>> -> memref<1x1x104x64xf32, #tpu.memory_space<vmem>>
      %dma_wait3A_289 = tpu.memref_squeeze %dma_wait3A_288 : memref<1x1x104x64xf32, #tpu.memory_space<vmem>> -> memref<104x64xf32, #tpu.memory_space<vmem>>
      %dma_wait3A_290 = arith.constant 0 : i32
      %dma_wait3A_291 = tpu.memref_slice %arg4[%mul3A_2, %dma_wait3A_290] : memref<106496x64xf32, #tpu.memory_space<hbm>> -> memref<104x64xf32, #tpu.memory_space<hbm>>
      %dma_wait3A_292 = arith.constant 0 : i32
      %dma_wait3A_293 = arith.constant 0 : i32
      %dma_wait3A_294 = tpu.memref_slice %arg6[%dma_wait3A_284, %dma_wait3A_285, %dma_wait3A_292, %dma_wait3A_293] : memref<2x4x104x64xf32, #tpu.memory_space<vmem>> -> memref<1x1x104x64xf32, #tpu.memory_space<vmem>>
      %dma_wait3A_295 = tpu.memref_squeeze %dma_wait3A_294 : memref<1x1x104x64xf32, #tpu.memory_space<vmem>> -> memref<104x64xf32, #tpu.memory_space<vmem>>
      %dma_wait3A_296 = arith.constant 0 : i32
      %dma_wait3A_297 = tpu.memref_slice %arg4[%mul3A_2, %dma_wait3A_296] : memref<106496x64xf32, #tpu.memory_space<hbm>> -> memref<104x64xf32, #tpu.memory_space<hbm>>
      tpu.wait_dma2 semaphore(%arg7 : memref<!tpu.dma_semaphore, #tpu.memory_space<semaphore_mem>>) src(%dma_wait3A_297 : memref<104x64xf32, #tpu.memory_space<hbm>>) dst(%dma_wait3A_295 : memref<104x64xf32, #tpu.memory_space<vmem>>)
      %dma_wait3A_298 = arith.constant 1 : i32
      %dma_wait3A_299 = arith.constant 2 : i32
      %dma_wait3A_300 = arith.constant 0 : i32
      %dma_wait3A_301 = arith.constant 0 : i32
      %dma_wait3A_302 = tpu.memref_slice %arg6[%dma_wait3A_298, %dma_wait3A_299, %dma_wait3A_300, %dma_wait3A_301] : memref<2x4x104x64xf32, #tpu.memory_space<vmem>> -> memref<1x1x104x64xf32, #tpu.memory_space<vmem>>
      %dma_wait3A_303 = tpu.memref_squeeze %dma_wait3A_302 : memref<1x1x104x64xf32, #tpu.memory_space<vmem>> -> memref<104x64xf32, #tpu.memory_space<vmem>>
      %dma_wait3A_304 = arith.constant 0 : i32
      %dma_wait3A_305 = tpu.memref_slice %arg4[%mul3A_2, %dma_wait3A_304] : memref<106496x64xf32, #tpu.memory_space<hbm>> -> memref<104x64xf32, #tpu.memory_space<hbm>>
      %dma_wait3A_306 = arith.constant 0 : i32
      %dma_wait3A_307 = arith.constant 0 : i32
      %dma_wait3A_308 = tpu.memref_slice %arg6[%dma_wait3A_298, %dma_wait3A_299, %dma_wait3A_306, %dma_wait3A_307] : memref<2x4x104x64xf32, #tpu.memory_space<vmem>> -> memref<1x1x104x64xf32, #tpu.memory_space<vmem>>
      %dma_wait3A_309 = tpu.memref_squeeze %dma_wait3A_308 : memref<1x1x104x64xf32, #tpu.memory_space<vmem>> -> memref<104x64xf32, #tpu.memory_space<vmem>>
      %dma_wait3A_310 = arith.constant 0 : i32
      %dma_wait3A_311 = tpu.memref_slice %arg4[%mul3A_2, %dma_wait3A_310] : memref<106496x64xf32, #tpu.memory_space<hbm>> -> memref<104x64xf32, #tpu.memory_space<hbm>>
      tpu.wait_dma2 semaphore(%arg7 : memref<!tpu.dma_semaphore, #tpu.memory_space<semaphore_mem>>) src(%dma_wait3A_311 : memref<104x64xf32, #tpu.memory_space<hbm>>) dst(%dma_wait3A_309 : memref<104x64xf32, #tpu.memory_space<vmem>>)
      %dma_wait3A_312 = arith.constant 1 : i32
      %dma_wait3A_313 = arith.constant 3 : i32
      %dma_wait3A_314 = arith.constant 0 : i32
      %dma_wait3A_315 = arith.constant 0 : i32
      %dma_wait3A_316 = tpu.memref_slice %arg6[%dma_wait3A_312, %dma_wait3A_313, %dma_wait3A_314, %dma_wait3A_315] : memref<2x4x104x64xf32, #tpu.memory_space<vmem>> -> memref<1x1x104x64xf32, #tpu.memory_space<vmem>>
      %dma_wait3A_317 = tpu.memref_squeeze %dma_wait3A_316 : memref<1x1x104x64xf32, #tpu.memory_space<vmem>> -> memref<104x64xf32, #tpu.memory_space<vmem>>
      %dma_wait3A_318 = arith.constant 0 : i32
      %dma_wait3A_319 = tpu.memref_slice %arg4[%mul3A_2, %dma_wait3A_318] : memref<106496x64xf32, #tpu.memory_space<hbm>> -> memref<104x64xf32, #tpu.memory_space<hbm>>
      %dma_wait3A_320 = arith.constant 0 : i32
      %dma_wait3A_321 = arith.constant 0 : i32
      %dma_wait3A_322 = tpu.memref_slice %arg6[%dma_wait3A_312, %dma_wait3A_313, %dma_wait3A_320, %dma_wait3A_321] : memref<2x4x104x64xf32, #tpu.memory_space<vmem>> -> memref<1x1x104x64xf32, #tpu.memory_space<vmem>>
      %dma_wait3A_323 = tpu.memref_squeeze %dma_wait3A_322 : memref<1x1x104x64xf32, #tpu.memory_space<vmem>> -> memref<104x64xf32, #tpu.memory_space<vmem>>
      %dma_wait3A_324 = arith.constant 0 : i32
      %dma_wait3A_325 = tpu.memref_slice %arg4[%mul3A_2, %dma_wait3A_324] : memref<106496x64xf32, #tpu.memory_space<hbm>> -> memref<104x64xf32, #tpu.memory_space<hbm>>
      tpu.wait_dma2 semaphore(%arg7 : memref<!tpu.dma_semaphore, #tpu.memory_space<semaphore_mem>>) src(%dma_wait3A_325 : memref<104x64xf32, #tpu.memory_space<hbm>>) dst(%dma_wait3A_323 : memref<104x64xf32, #tpu.memory_space<vmem>>)
      %ge3A_326 = arith.constant 1 : i32
      %ge3A_327 = arith.cmpi sge, %add3A_269, %ge3A_326 : i32
      %convert_element_type3A_328 = arith.extui %ge3A_327 : i1 to i32
      %cond3A_329 = arith.constant 0 : i32
      %cond3A_330 = arith.cmpi ne, %convert_element_type3A_328, %cond3A_329 : i32
      scf.if %cond3A_330 {
        %dma_wait3A_422 = arith.constant 0 : i32
        %dma_wait3A_423 = arith.constant 0 : i32
        %dma_wait3A_424 = arith.constant 0 : i32
        %dma_wait3A_425 = arith.constant 0 : i32
        %dma_wait3A_426 = tpu.memref_slice %arg6[%dma_wait3A_422, %dma_wait3A_423, %dma_wait3A_424, %dma_wait3A_425] : memref<2x4x104x64xf32, #tpu.memory_space<vmem>> -> memref<1x1x104x64xf32, #tpu.memory_space<vmem>>
        %dma_wait3A_427 = tpu.memref_squeeze %dma_wait3A_426 : memref<1x1x104x64xf32, #tpu.memory_space<vmem>> -> memref<104x64xf32, #tpu.memory_space<vmem>>
        %dma_wait3A_428 = arith.constant 0 : i32
        %dma_wait3A_429 = tpu.memref_slice %arg4[%mul3A_2, %dma_wait3A_428] : memref<106496x64xf32, #tpu.memory_space<hbm>> -> memref<104x64xf32, #tpu.memory_space<hbm>>
        %dma_wait3A_430 = arith.constant 0 : i32
        %dma_wait3A_431 = arith.constant 0 : i32
        %dma_wait3A_432 = tpu.memref_slice %arg6[%dma_wait3A_422, %dma_wait3A_423, %dma_wait3A_430, %dma_wait3A_431] : memref<2x4x104x64xf32, #tpu.memory_space<vmem>> -> memref<1x1x104x64xf32, #tpu.memory_space<vmem>>
        %dma_wait3A_433 = tpu.memref_squeeze %dma_wait3A_432 : memref<1x1x104x64xf32, #tpu.memory_space<vmem>> -> memref<104x64xf32, #tpu.memory_space<vmem>>
        %dma_wait3A_434 = arith.constant 0 : i32
        %dma_wait3A_435 = tpu.memref_slice %arg4[%mul3A_2, %dma_wait3A_434] : memref<106496x64xf32, #tpu.memory_space<hbm>> -> memref<104x64xf32, #tpu.memory_space<hbm>>
        tpu.wait_dma2 semaphore(%arg8 : memref<!tpu.dma_semaphore, #tpu.memory_space<semaphore_mem>>) src(%dma_wait3A_435 : memref<104x64xf32, #tpu.memory_space<hbm>>) dst(%dma_wait3A_433 : memref<104x64xf32, #tpu.memory_space<vmem>>)
        %dma_wait3A_436 = arith.constant 0 : i32
        %dma_wait3A_437 = arith.constant 1 : i32
        %dma_wait3A_438 = arith.constant 0 : i32
        %dma_wait3A_439 = arith.constant 0 : i32
        %dma_wait3A_440 = tpu.memref_slice %arg6[%dma_wait3A_436, %dma_wait3A_437, %dma_wait3A_438, %dma_wait3A_439] : memref<2x4x104x64xf32, #tpu.memory_space<vmem>> -> memref<1x1x104x64xf32, #tpu.memory_space<vmem>>
        %dma_wait3A_441 = tpu.memref_squeeze %dma_wait3A_440 : memref<1x1x104x64xf32, #tpu.memory_space<vmem>> -> memref<104x64xf32, #tpu.memory_space<vmem>>
        %dma_wait3A_442 = arith.constant 0 : i32
        %dma_wait3A_443 = tpu.memref_slice %arg4[%mul3A_2, %dma_wait3A_442] : memref<106496x64xf32, #tpu.memory_space<hbm>> -> memref<104x64xf32, #tpu.memory_space<hbm>>
        %dma_wait3A_444 = arith.constant 0 : i32
        %dma_wait3A_445 = arith.constant 0 : i32
        %dma_wait3A_446 = tpu.memref_slice %arg6[%dma_wait3A_436, %dma_wait3A_437, %dma_wait3A_444, %dma_wait3A_445] : memref<2x4x104x64xf32, #tpu.memory_space<vmem>> -> memref<1x1x104x64xf32, #tpu.memory_space<vmem>>
        %dma_wait3A_447 = tpu.memref_squeeze %dma_wait3A_446 : memref<1x1x104x64xf32, #tpu.memory_space<vmem>> -> memref<104x64xf32, #tpu.memory_space<vmem>>
        %dma_wait3A_448 = arith.constant 0 : i32
        %dma_wait3A_449 = tpu.memref_slice %arg4[%mul3A_2, %dma_wait3A_448] : memref<106496x64xf32, #tpu.memory_space<hbm>> -> memref<104x64xf32, #tpu.memory_space<hbm>>
        tpu.wait_dma2 semaphore(%arg8 : memref<!tpu.dma_semaphore, #tpu.memory_space<semaphore_mem>>) src(%dma_wait3A_449 : memref<104x64xf32, #tpu.memory_space<hbm>>) dst(%dma_wait3A_447 : memref<104x64xf32, #tpu.memory_space<vmem>>)
        %dma_wait3A_450 = arith.constant 0 : i32
        %dma_wait3A_451 = arith.constant 2 : i32
        %dma_wait3A_452 = arith.constant 0 : i32
        %dma_wait3A_453 = arith.constant 0 : i32
        %dma_wait3A_454 = tpu.memref_slice %arg6[%dma_wait3A_450, %dma_wait3A_451, %dma_wait3A_452, %dma_wait3A_453] : memref<2x4x104x64xf32, #tpu.memory_space<vmem>> -> memref<1x1x104x64xf32, #tpu.memory_space<vmem>>
        %dma_wait3A_455 = tpu.memref_squeeze %dma_wait3A_454 : memref<1x1x104x64xf32, #tpu.memory_space<vmem>> -> memref<104x64xf32, #tpu.memory_space<vmem>>
        %dma_wait3A_456 = arith.constant 0 : i32
        %dma_wait3A_457 = tpu.memref_slice %arg4[%mul3A_2, %dma_wait3A_456] : memref<106496x64xf32, #tpu.memory_space<hbm>> -> memref<104x64xf32, #tpu.memory_space<hbm>>
        %dma_wait3A_458 = arith.constant 0 : i32
        %dma_wait3A_459 = arith.constant 0 : i32
        %dma_wait3A_460 = tpu.memref_slice %arg6[%dma_wait3A_450, %dma_wait3A_451, %dma_wait3A_458, %dma_wait3A_459] : memref<2x4x104x64xf32, #tpu.memory_space<vmem>> -> memref<1x1x104x64xf32, #tpu.memory_space<vmem>>
        %dma_wait3A_461 = tpu.memref_squeeze %dma_wait3A_460 : memref<1x1x104x64xf32, #tpu.memory_space<vmem>> -> memref<104x64xf32, #tpu.memory_space<vmem>>
        %dma_wait3A_462 = arith.constant 0 : i32
        %dma_wait3A_463 = tpu.memref_slice %arg4[%mul3A_2, %dma_wait3A_462] : memref<106496x64xf32, #tpu.memory_space<hbm>> -> memref<104x64xf32, #tpu.memory_space<hbm>>
        tpu.wait_dma2 semaphore(%arg8 : memref<!tpu.dma_semaphore, #tpu.memory_space<semaphore_mem>>) src(%dma_wait3A_463 : memref<104x64xf32, #tpu.memory_space<hbm>>) dst(%dma_wait3A_461 : memref<104x64xf32, #tpu.memory_space<vmem>>)
        %dma_wait3A_464 = arith.constant 0 : i32
        %dma_wait3A_465 = arith.constant 3 : i32
        %dma_wait3A_466 = arith.constant 0 : i32
        %dma_wait3A_467 = arith.constant 0 : i32
        %dma_wait3A_468 = tpu.memref_slice %arg6[%dma_wait3A_464, %dma_wait3A_465, %dma_wait3A_466, %dma_wait3A_467] : memref<2x4x104x64xf32, #tpu.memory_space<vmem>> -> memref<1x1x104x64xf32, #tpu.memory_space<vmem>>
        %dma_wait3A_469 = tpu.memref_squeeze %dma_wait3A_468 : memref<1x1x104x64xf32, #tpu.memory_space<vmem>> -> memref<104x64xf32, #tpu.memory_space<vmem>>
        %dma_wait3A_470 = arith.constant 0 : i32
        %dma_wait3A_471 = tpu.memref_slice %arg4[%mul3A_2, %dma_wait3A_470] : memref<106496x64xf32, #tpu.memory_space<hbm>> -> memref<104x64xf32, #tpu.memory_space<hbm>>
        %dma_wait3A_472 = arith.constant 0 : i32
        %dma_wait3A_473 = arith.constant 0 : i32
        %dma_wait3A_474 = tpu.memref_slice %arg6[%dma_wait3A_464, %dma_wait3A_465, %dma_wait3A_472, %dma_wait3A_473] : memref<2x4x104x64xf32, #tpu.memory_space<vmem>> -> memref<1x1x104x64xf32, #tpu.memory_space<vmem>>
        %dma_wait3A_475 = tpu.memref_squeeze %dma_wait3A_474 : memref<1x1x104x64xf32, #tpu.memory_space<vmem>> -> memref<104x64xf32, #tpu.memory_space<vmem>>
        %dma_wait3A_476 = arith.constant 0 : i32
        %dma_wait3A_477 = tpu.memref_slice %arg4[%mul3A_2, %dma_wait3A_476] : memref<106496x64xf32, #tpu.memory_space<hbm>> -> memref<104x64xf32, #tpu.memory_space<hbm>>
        tpu.wait_dma2 semaphore(%arg8 : memref<!tpu.dma_semaphore, #tpu.memory_space<semaphore_mem>>) src(%dma_wait3A_477 : memref<104x64xf32, #tpu.memory_space<hbm>>) dst(%dma_wait3A_475 : memref<104x64xf32, #tpu.memory_space<vmem>>)
      } else {
      }
      %add3A_331 = arith.constant 1 : i32
      %add3A_332 = arith.addi %add3A_269, %add3A_331 : i32
      %lt3A_333 = arith.constant 8 : i32
      %lt3A_334 = arith.cmpi slt, %add3A_332, %lt3A_333 : i32
      %convert_element_type3A_335 = arith.extui %lt3A_334 : i1 to i32
      %cond3A_336 = arith.constant 0 : i32
      %cond3A_337 = arith.cmpi ne, %convert_element_type3A_335, %cond3A_336 : i32
      scf.if %cond3A_337 {
        %add3A_422 = arith.constant 1 : i32
        %add3A_423 = arith.addi %add3A_269, %add3A_422 : i32
        %mul3A_424 = arith.constant 4 : i32
        %mul3A_425 = arith.muli %add3A_423, %mul3A_424 : i32
        %add3A_426 = arith.constant 0 : i32
        %add3A_427 = arith.addi %mul3A_425, %add3A_426 : i32
        %dma_start3A_428 = arith.constant 0 : i32
        %dma_start3A_429 = arith.constant 0 : i32
        %dma_start3A_430 = arith.constant 0 : i32
        %dma_start3A_431 = arith.constant 0 : i32
        %dma_start3A_432 = tpu.memref_slice %arg6[%dma_start3A_428, %dma_start3A_429, %dma_start3A_430, %dma_start3A_431] : memref<2x4x104x64xf32, #tpu.memory_space<vmem>> -> memref<1x1x104x64xf32, #tpu.memory_space<vmem>>
        %dma_start3A_433 = tpu.memref_squeeze %dma_start3A_432 : memref<1x1x104x64xf32, #tpu.memory_space<vmem>> -> memref<104x64xf32, #tpu.memory_space<vmem>>
        %dma_start3A_434 = arith.constant 0 : i32
        %dma_start3A_435 = tpu.memref_slice %arg5[%add3A_427, %dma_start3A_434] : memref<32x104xi32, #tpu.memory_space<vmem>> -> memref<1x104xi32, #tpu.memory_space<vmem>>
        %dma_start3A_436 = tpu.memref_squeeze %dma_start3A_435 : memref<1x104xi32, #tpu.memory_space<vmem>> -> memref<104xi32, #tpu.memory_space<vmem>>
        %dma_start3A_437 = arith.constant 0 : i32
        %dma_start3A_438 = arith.constant 0 : i32
        %dma_start3A_439 = tpu.memref_slice %arg3[%dma_start3A_437, %dma_start3A_438] : memref<1000000x64xf32, #tpu.memory_space<hbm>> -> memref<1000000x64xf32, #tpu.memory_space<hbm>>
        tpu.enqueue_indirect_dma source(%dma_start3A_439 : memref<1000000x64xf32, #tpu.memory_space<hbm>>) target(%dma_start3A_433 : memref<104x64xf32, #tpu.memory_space<vmem>>) offsets(%dma_start3A_436 : memref<104xi32, #tpu.memory_space<vmem>>) semaphore(%arg7 : memref<!tpu.dma_semaphore, #tpu.memory_space<semaphore_mem>>)
        %mul3A_440 = arith.constant 4 : i32
        %mul3A_441 = arith.muli %add3A_423, %mul3A_440 : i32
        %add3A_442 = arith.constant 1 : i32
        %add3A_443 = arith.addi %mul3A_441, %add3A_442 : i32
        %dma_start3A_444 = arith.constant 0 : i32
        %dma_start3A_445 = arith.constant 1 : i32
        %dma_start3A_446 = arith.constant 0 : i32
        %dma_start3A_447 = arith.constant 0 : i32
        %dma_start3A_448 = tpu.memref_slice %arg6[%dma_start3A_444, %dma_start3A_445, %dma_start3A_446, %dma_start3A_447] : memref<2x4x104x64xf32, #tpu.memory_space<vmem>> -> memref<1x1x104x64xf32, #tpu.memory_space<vmem>>
        %dma_start3A_449 = tpu.memref_squeeze %dma_start3A_448 : memref<1x1x104x64xf32, #tpu.memory_space<vmem>> -> memref<104x64xf32, #tpu.memory_space<vmem>>
        %dma_start3A_450 = arith.constant 0 : i32
        %dma_start3A_451 = tpu.memref_slice %arg5[%add3A_443, %dma_start3A_450] : memref<32x104xi32, #tpu.memory_space<vmem>> -> memref<1x104xi32, #tpu.memory_space<vmem>>
        %dma_start3A_452 = tpu.memref_squeeze %dma_start3A_451 : memref<1x104xi32, #tpu.memory_space<vmem>> -> memref<104xi32, #tpu.memory_space<vmem>>
        %dma_start3A_453 = arith.constant 0 : i32
        %dma_start3A_454 = arith.constant 0 : i32
        %dma_start3A_455 = tpu.memref_slice %arg3[%dma_start3A_453, %dma_start3A_454] : memref<1000000x64xf32, #tpu.memory_space<hbm>> -> memref<1000000x64xf32, #tpu.memory_space<hbm>>
        tpu.enqueue_indirect_dma source(%dma_start3A_455 : memref<1000000x64xf32, #tpu.memory_space<hbm>>) target(%dma_start3A_449 : memref<104x64xf32, #tpu.memory_space<vmem>>) offsets(%dma_start3A_452 : memref<104xi32, #tpu.memory_space<vmem>>) semaphore(%arg7 : memref<!tpu.dma_semaphore, #tpu.memory_space<semaphore_mem>>)
        %mul3A_456 = arith.constant 4 : i32
        %mul3A_457 = arith.muli %add3A_423, %mul3A_456 : i32
        %add3A_458 = arith.constant 2 : i32
        %add3A_459 = arith.addi %mul3A_457, %add3A_458 : i32
        %dma_start3A_460 = arith.constant 0 : i32
        %dma_start3A_461 = arith.constant 2 : i32
        %dma_start3A_462 = arith.constant 0 : i32
        %dma_start3A_463 = arith.constant 0 : i32
        %dma_start3A_464 = tpu.memref_slice %arg6[%dma_start3A_460, %dma_start3A_461, %dma_start3A_462, %dma_start3A_463] : memref<2x4x104x64xf32, #tpu.memory_space<vmem>> -> memref<1x1x104x64xf32, #tpu.memory_space<vmem>>
        %dma_start3A_465 = tpu.memref_squeeze %dma_start3A_464 : memref<1x1x104x64xf32, #tpu.memory_space<vmem>> -> memref<104x64xf32, #tpu.memory_space<vmem>>
        %dma_start3A_466 = arith.constant 0 : i32
        %dma_start3A_467 = tpu.memref_slice %arg5[%add3A_459, %dma_start3A_466] : memref<32x104xi32, #tpu.memory_space<vmem>> -> memref<1x104xi32, #tpu.memory_space<vmem>>
        %dma_start3A_468 = tpu.memref_squeeze %dma_start3A_467 : memref<1x104xi32, #tpu.memory_space<vmem>> -> memref<104xi32, #tpu.memory_space<vmem>>
        %dma_start3A_469 = arith.constant 0 : i32
        %dma_start3A_470 = arith.constant 0 : i32
        %dma_start3A_471 = tpu.memref_slice %arg3[%dma_start3A_469, %dma_start3A_470] : memref<1000000x64xf32, #tpu.memory_space<hbm>> -> memref<1000000x64xf32, #tpu.memory_space<hbm>>
        tpu.enqueue_indirect_dma source(%dma_start3A_471 : memref<1000000x64xf32, #tpu.memory_space<hbm>>) target(%dma_start3A_465 : memref<104x64xf32, #tpu.memory_space<vmem>>) offsets(%dma_start3A_468 : memref<104xi32, #tpu.memory_space<vmem>>) semaphore(%arg7 : memref<!tpu.dma_semaphore, #tpu.memory_space<semaphore_mem>>)
        %mul3A_472 = arith.constant 4 : i32
        %mul3A_473 = arith.muli %add3A_423, %mul3A_472 : i32
        %add3A_474 = arith.constant 3 : i32
        %add3A_475 = arith.addi %mul3A_473, %add3A_474 : i32
        %dma_start3A_476 = arith.constant 0 : i32
        %dma_start3A_477 = arith.constant 3 : i32
        %dma_start3A_478 = arith.constant 0 : i32
        %dma_start3A_479 = arith.constant 0 : i32
        %dma_start3A_480 = tpu.memref_slice %arg6[%dma_start3A_476, %dma_start3A_477, %dma_start3A_478, %dma_start3A_479] : memref<2x4x104x64xf32, #tpu.memory_space<vmem>> -> memref<1x1x104x64xf32, #tpu.memory_space<vmem>>
        %dma_start3A_481 = tpu.memref_squeeze %dma_start3A_480 : memref<1x1x104x64xf32, #tpu.memory_space<vmem>> -> memref<104x64xf32, #tpu.memory_space<vmem>>
        %dma_start3A_482 = arith.constant 0 : i32
        %dma_start3A_483 = tpu.memref_slice %arg5[%add3A_475, %dma_start3A_482] : memref<32x104xi32, #tpu.memory_space<vmem>> -> memref<1x104xi32, #tpu.memory_space<vmem>>
        %dma_start3A_484 = tpu.memref_squeeze %dma_start3A_483 : memref<1x104xi32, #tpu.memory_space<vmem>> -> memref<104xi32, #tpu.memory_space<vmem>>
        %dma_start3A_485 = arith.constant 0 : i32
        %dma_start3A_486 = arith.constant 0 : i32
        %dma_start3A_487 = tpu.memref_slice %arg3[%dma_start3A_485, %dma_start3A_486] : memref<1000000x64xf32, #tpu.memory_space<hbm>> -> memref<1000000x64xf32, #tpu.memory_space<hbm>>
        tpu.enqueue_indirect_dma source(%dma_start3A_487 : memref<1000000x64xf32, #tpu.memory_space<hbm>>) target(%dma_start3A_481 : memref<104x64xf32, #tpu.memory_space<vmem>>) offsets(%dma_start3A_484 : memref<104xi32, #tpu.memory_space<vmem>>) semaphore(%arg7 : memref<!tpu.dma_semaphore, #tpu.memory_space<semaphore_mem>>)
      } else {
      }
      %mul3A_338 = arith.constant 4 : i32
      %mul3A_339 = arith.muli %add3A_269, %mul3A_338 : i32
      %add3A_340 = arith.constant 0 : i32
      %add3A_341 = arith.addi %mul3A_339, %add3A_340 : i32
      %mul3A_342 = arith.constant 104 : i32
      %mul3A_343 = arith.muli %add3A_341, %mul3A_342 : i32
      %add3A_344 = arith.addi %mul3A_2, %mul3A_343 : i32
      %dma_start3A_345 = arith.constant 1 : i32
      %dma_start3A_346 = arith.constant 0 : i32
      %dma_start3A_347 = arith.constant 0 : i32
      %dma_start3A_348 = arith.constant 0 : i32
      %dma_start3A_349 = tpu.memref_slice %arg6[%dma_start3A_345, %dma_start3A_346, %dma_start3A_347, %dma_start3A_348] : memref<2x4x104x64xf32, #tpu.memory_space<vmem>> -> memref<1x1x104x64xf32, #tpu.memory_space<vmem>>
      %dma_start3A_350 = tpu.memref_squeeze %dma_start3A_349 : memref<1x1x104x64xf32, #tpu.memory_space<vmem>> -> memref<104x64xf32, #tpu.memory_space<vmem>>
      %dma_start3A_351 = arith.constant 0 : i32
      %dma_start3A_352 = tpu.memref_slice %arg4[%add3A_344, %dma_start3A_351] : memref<106496x64xf32, #tpu.memory_space<hbm>> -> memref<104x64xf32, #tpu.memory_space<hbm>>
      %dma_start3A_353 = arith.constant 0 : i32
      %dma_start3A_354 = tpu.memref_slice %arg4[%add3A_344, %dma_start3A_353] : memref<106496x64xf32, #tpu.memory_space<hbm>> -> memref<104x64xf32, #tpu.memory_space<hbm>>
      %dma_start3A_355 = arith.constant 0 : i32
      %dma_start3A_356 = arith.constant 0 : i32
      %dma_start3A_357 = tpu.memref_slice %arg6[%dma_start3A_345, %dma_start3A_346, %dma_start3A_355, %dma_start3A_356] : memref<2x4x104x64xf32, #tpu.memory_space<vmem>> -> memref<1x1x104x64xf32, #tpu.memory_space<vmem>>
      %dma_start3A_358 = tpu.memref_squeeze %dma_start3A_357 : memref<1x1x104x64xf32, #tpu.memory_space<vmem>> -> memref<104x64xf32, #tpu.memory_space<vmem>>
      tpu.enqueue_dma source(%dma_start3A_358 : memref<104x64xf32, #tpu.memory_space<vmem>>) target(%dma_start3A_354 : memref<104x64xf32, #tpu.memory_space<hbm>>) target_semaphore(%arg8 : memref<!tpu.dma_semaphore, #tpu.memory_space<semaphore_mem>>)
      %mul3A_359 = arith.constant 4 : i32
      %mul3A_360 = arith.muli %add3A_269, %mul3A_359 : i32
      %add3A_361 = arith.constant 1 : i32
      %add3A_362 = arith.addi %mul3A_360, %add3A_361 : i32
      %mul3A_363 = arith.constant 104 : i32
      %mul3A_364 = arith.muli %add3A_362, %mul3A_363 : i32
      %add3A_365 = arith.addi %mul3A_2, %mul3A_364 : i32
      %dma_start3A_366 = arith.constant 1 : i32
      %dma_start3A_367 = arith.constant 1 : i32
      %dma_start3A_368 = arith.constant 0 : i32
      %dma_start3A_369 = arith.constant 0 : i32
      %dma_start3A_370 = tpu.memref_slice %arg6[%dma_start3A_366, %dma_start3A_367, %dma_start3A_368, %dma_start3A_369] : memref<2x4x104x64xf32, #tpu.memory_space<vmem>> -> memref<1x1x104x64xf32, #tpu.memory_space<vmem>>
      %dma_start3A_371 = tpu.memref_squeeze %dma_start3A_370 : memref<1x1x104x64xf32, #tpu.memory_space<vmem>> -> memref<104x64xf32, #tpu.memory_space<vmem>>
      %dma_start3A_372 = arith.constant 0 : i32
      %dma_start3A_373 = tpu.memref_slice %arg4[%add3A_365, %dma_start3A_372] : memref<106496x64xf32, #tpu.memory_space<hbm>> -> memref<104x64xf32, #tpu.memory_space<hbm>>
      %dma_start3A_374 = arith.constant 0 : i32
      %dma_start3A_375 = tpu.memref_slice %arg4[%add3A_365, %dma_start3A_374] : memref<106496x64xf32, #tpu.memory_space<hbm>> -> memref<104x64xf32, #tpu.memory_space<hbm>>
      %dma_start3A_376 = arith.constant 0 : i32
      %dma_start3A_377 = arith.constant 0 : i32
      %dma_start3A_378 = tpu.memref_slice %arg6[%dma_start3A_366, %dma_start3A_367, %dma_start3A_376, %dma_start3A_377] : memref<2x4x104x64xf32, #tpu.memory_space<vmem>> -> memref<1x1x104x64xf32, #tpu.memory_space<vmem>>
      %dma_start3A_379 = tpu.memref_squeeze %dma_start3A_378 : memref<1x1x104x64xf32, #tpu.memory_space<vmem>> -> memref<104x64xf32, #tpu.memory_space<vmem>>
      tpu.enqueue_dma source(%dma_start3A_379 : memref<104x64xf32, #tpu.memory_space<vmem>>) target(%dma_start3A_375 : memref<104x64xf32, #tpu.memory_space<hbm>>) target_semaphore(%arg8 : memref<!tpu.dma_semaphore, #tpu.memory_space<semaphore_mem>>)
      %mul3A_380 = arith.constant 4 : i32
      %mul3A_381 = arith.muli %add3A_269, %mul3A_380 : i32
      %add3A_382 = arith.constant 2 : i32
      %add3A_383 = arith.addi %mul3A_381, %add3A_382 : i32
      %mul3A_384 = arith.constant 104 : i32
      %mul3A_385 = arith.muli %add3A_383, %mul3A_384 : i32
      %add3A_386 = arith.addi %mul3A_2, %mul3A_385 : i32
      %dma_start3A_387 = arith.constant 1 : i32
      %dma_start3A_388 = arith.constant 2 : i32
      %dma_start3A_389 = arith.constant 0 : i32
      %dma_start3A_390 = arith.constant 0 : i32
      %dma_start3A_391 = tpu.memref_slice %arg6[%dma_start3A_387, %dma_start3A_388, %dma_start3A_389, %dma_start3A_390] : memref<2x4x104x64xf32, #tpu.memory_space<vmem>> -> memref<1x1x104x64xf32, #tpu.memory_space<vmem>>
      %dma_start3A_392 = tpu.memref_squeeze %dma_start3A_391 : memref<1x1x104x64xf32, #tpu.memory_space<vmem>> -> memref<104x64xf32, #tpu.memory_space<vmem>>
      %dma_start3A_393 = arith.constant 0 : i32
      %dma_start3A_394 = tpu.memref_slice %arg4[%add3A_386, %dma_start3A_393] : memref<106496x64xf32, #tpu.memory_space<hbm>> -> memref<104x64xf32, #tpu.memory_space<hbm>>
      %dma_start3A_395 = arith.constant 0 : i32
      %dma_start3A_396 = tpu.memref_slice %arg4[%add3A_386, %dma_start3A_395] : memref<106496x64xf32, #tpu.memory_space<hbm>> -> memref<104x64xf32, #tpu.memory_space<hbm>>
      %dma_start3A_397 = arith.constant 0 : i32
      %dma_start3A_398 = arith.constant 0 : i32
      %dma_start3A_399 = tpu.memref_slice %arg6[%dma_start3A_387, %dma_start3A_388, %dma_start3A_397, %dma_start3A_398] : memref<2x4x104x64xf32, #tpu.memory_space<vmem>> -> memref<1x1x104x64xf32, #tpu.memory_space<vmem>>
      %dma_start3A_400 = tpu.memref_squeeze %dma_start3A_399 : memref<1x1x104x64xf32, #tpu.memory_space<vmem>> -> memref<104x64xf32, #tpu.memory_space<vmem>>
      tpu.enqueue_dma source(%dma_start3A_400 : memref<104x64xf32, #tpu.memory_space<vmem>>) target(%dma_start3A_396 : memref<104x64xf32, #tpu.memory_space<hbm>>) target_semaphore(%arg8 : memref<!tpu.dma_semaphore, #tpu.memory_space<semaphore_mem>>)
      %mul3A_401 = arith.constant 4 : i32
      %mul3A_402 = arith.muli %add3A_269, %mul3A_401 : i32
      %add3A_403 = arith.constant 3 : i32
      %add3A_404 = arith.addi %mul3A_402, %add3A_403 : i32
      %mul3A_405 = arith.constant 104 : i32
      %mul3A_406 = arith.muli %add3A_404, %mul3A_405 : i32
      %add3A_407 = arith.addi %mul3A_2, %mul3A_406 : i32
      %dma_start3A_408 = arith.constant 1 : i32
      %dma_start3A_409 = arith.constant 3 : i32
      %dma_start3A_410 = arith.constant 0 : i32
      %dma_start3A_411 = arith.constant 0 : i32
      %dma_start3A_412 = tpu.memref_slice %arg6[%dma_start3A_408, %dma_start3A_409, %dma_start3A_410, %dma_start3A_411] : memref<2x4x104x64xf32, #tpu.memory_space<vmem>> -> memref<1x1x104x64xf32, #tpu.memory_space<vmem>>
      %dma_start3A_413 = tpu.memref_squeeze %dma_start3A_412 : memref<1x1x104x64xf32, #tpu.memory_space<vmem>> -> memref<104x64xf32, #tpu.memory_space<vmem>>
      %dma_start3A_414 = arith.constant 0 : i32
      %dma_start3A_415 = tpu.memref_slice %arg4[%add3A_407, %dma_start3A_414] : memref<106496x64xf32, #tpu.memory_space<hbm>> -> memref<104x64xf32, #tpu.memory_space<hbm>>
      %dma_start3A_416 = arith.constant 0 : i32
      %dma_start3A_417 = tpu.memref_slice %arg4[%add3A_407, %dma_start3A_416] : memref<106496x64xf32, #tpu.memory_space<hbm>> -> memref<104x64xf32, #tpu.memory_space<hbm>>
      %dma_start3A_418 = arith.constant 0 : i32
      %dma_start3A_419 = arith.constant 0 : i32
      %dma_start3A_420 = tpu.memref_slice %arg6[%dma_start3A_408, %dma_start3A_409, %dma_start3A_418, %dma_start3A_419] : memref<2x4x104x64xf32, #tpu.memory_space<vmem>> -> memref<1x1x104x64xf32, #tpu.memory_space<vmem>>
      %dma_start3A_421 = tpu.memref_squeeze %dma_start3A_420 : memref<1x1x104x64xf32, #tpu.memory_space<vmem>> -> memref<104x64xf32, #tpu.memory_space<vmem>>
      tpu.enqueue_dma source(%dma_start3A_421 : memref<104x64xf32, #tpu.memory_space<vmem>>) target(%dma_start3A_417 : memref<104x64xf32, #tpu.memory_space<hbm>>) target_semaphore(%arg8 : memref<!tpu.dma_semaphore, #tpu.memory_space<semaphore_mem>>)
    }
    %scan3A_57 = arith.constant 4 : i32
    %dma_wait3A = arith.constant 1 : i32
    %dma_wait3A_58 = arith.constant 0 : i32
    %dma_wait3A_59 = arith.constant 0 : i32
    %dma_wait3A_60 = arith.constant 0 : i32
    %dma_wait3A_61 = tpu.memref_slice %arg6[%dma_wait3A, %dma_wait3A_58, %dma_wait3A_59, %dma_wait3A_60] : memref<2x4x104x64xf32, #tpu.memory_space<vmem>> -> memref<1x1x104x64xf32, #tpu.memory_space<vmem>>
    %dma_wait3A_62 = tpu.memref_squeeze %dma_wait3A_61 : memref<1x1x104x64xf32, #tpu.memory_space<vmem>> -> memref<104x64xf32, #tpu.memory_space<vmem>>
    %dma_wait3A_63 = arith.constant 0 : i32
    %dma_wait3A_64 = tpu.memref_slice %arg4[%mul3A_2, %dma_wait3A_63] : memref<106496x64xf32, #tpu.memory_space<hbm>> -> memref<104x64xf32, #tpu.memory_space<hbm>>
    %dma_wait3A_65 = arith.constant 0 : i32
    %dma_wait3A_66 = arith.constant 0 : i32
    %dma_wait3A_67 = tpu.memref_slice %arg6[%dma_wait3A, %dma_wait3A_58, %dma_wait3A_65, %dma_wait3A_66] : memref<2x4x104x64xf32, #tpu.memory_space<vmem>> -> memref<1x1x104x64xf32, #tpu.memory_space<vmem>>
    %dma_wait3A_68 = tpu.memref_squeeze %dma_wait3A_67 : memref<1x1x104x64xf32, #tpu.memory_space<vmem>> -> memref<104x64xf32, #tpu.memory_space<vmem>>
    %dma_wait3A_69 = arith.constant 0 : i32
    %dma_wait3A_70 = tpu.memref_slice %arg4[%mul3A_2, %dma_wait3A_69] : memref<106496x64xf32, #tpu.memory_space<hbm>> -> memref<104x64xf32, #tpu.memory_space<hbm>>
    tpu.wait_dma2 semaphore(%arg8 : memref<!tpu.dma_semaphore, #tpu.memory_space<semaphore_mem>>) src(%dma_wait3A_70 : memref<104x64xf32, #tpu.memory_space<hbm>>) dst(%dma_wait3A_68 : memref<104x64xf32, #tpu.memory_space<vmem>>)
    %dma_wait3A_71 = arith.constant 1 : i32
    %dma_wait3A_72 = arith.constant 1 : i32
    %dma_wait3A_73 = arith.constant 0 : i32
    %dma_wait3A_74 = arith.constant 0 : i32
    %dma_wait3A_75 = tpu.memref_slice %arg6[%dma_wait3A_71, %dma_wait3A_72, %dma_wait3A_73, %dma_wait3A_74] : memref<2x4x104x64xf32, #tpu.memory_space<vmem>> -> memref<1x1x104x64xf32, #tpu.memory_space<vmem>>
    %dma_wait3A_76 = tpu.memref_squeeze %dma_wait3A_75 : memref<1x1x104x64xf32, #tpu.memory_space<vmem>> -> memref<104x64xf32, #tpu.memory_space<vmem>>
    %dma_wait3A_77 = arith.constant 0 : i32
    %dma_wait3A_78 = tpu.memref_slice %arg4[%mul3A_2, %dma_wait3A_77] : memref<106496x64xf32, #tpu.memory_space<hbm>> -> memref<104x64xf32, #tpu.memory_space<hbm>>
    %dma_wait3A_79 = arith.constant 0 : i32
    %dma_wait3A_80 = arith.constant 0 : i32
    %dma_wait3A_81 = tpu.memref_slice %arg6[%dma_wait3A_71, %dma_wait3A_72, %dma_wait3A_79, %dma_wait3A_80] : memref<2x4x104x64xf32, #tpu.memory_space<vmem>> -> memref<1x1x104x64xf32, #tpu.memory_space<vmem>>
    %dma_wait3A_82 = tpu.memref_squeeze %dma_wait3A_81 : memref<1x1x104x64xf32, #tpu.memory_space<vmem>> -> memref<104x64xf32, #tpu.memory_space<vmem>>
    %dma_wait3A_83 = arith.constant 0 : i32
    %dma_wait3A_84 = tpu.memref_slice %arg4[%mul3A_2, %dma_wait3A_83] : memref<106496x64xf32, #tpu.memory_space<hbm>> -> memref<104x64xf32, #tpu.memory_space<hbm>>
    tpu.wait_dma2 semaphore(%arg8 : memref<!tpu.dma_semaphore, #tpu.memory_space<semaphore_mem>>) src(%dma_wait3A_84 : memref<104x64xf32, #tpu.memory_space<hbm>>) dst(%dma_wait3A_82 : memref<104x64xf32, #tpu.memory_space<vmem>>)
    %dma_wait3A_85 = arith.constant 1 : i32
    %dma_wait3A_86 = arith.constant 2 : i32
    %dma_wait3A_87 = arith.constant 0 : i32
    %dma_wait3A_88 = arith.constant 0 : i32
    %dma_wait3A_89 = tpu.memref_slice %arg6[%dma_wait3A_85, %dma_wait3A_86, %dma_wait3A_87, %dma_wait3A_88] : memref<2x4x104x64xf32, #tpu.memory_space<vmem>> -> memref<1x1x104x64xf32, #tpu.memory_space<vmem>>
    %dma_wait3A_90 = tpu.memref_squeeze %dma_wait3A_89 : memref<1x1x104x64xf32, #tpu.memory_space<vmem>> -> memref<104x64xf32, #tpu.memory_space<vmem>>
    %dma_wait3A_91 = arith.constant 0 : i32
    %dma_wait3A_92 = tpu.memref_slice %arg4[%mul3A_2, %dma_wait3A_91] : memref<106496x64xf32, #tpu.memory_space<hbm>> -> memref<104x64xf32, #tpu.memory_space<hbm>>
    %dma_wait3A_93 = arith.constant 0 : i32
    %dma_wait3A_94 = arith.constant 0 : i32
    %dma_wait3A_95 = tpu.memref_slice %arg6[%dma_wait3A_85, %dma_wait3A_86, %dma_wait3A_93, %dma_wait3A_94] : memref<2x4x104x64xf32, #tpu.memory_space<vmem>> -> memref<1x1x104x64xf32, #tpu.memory_space<vmem>>
    %dma_wait3A_96 = tpu.memref_squeeze %dma_wait3A_95 : memref<1x1x104x64xf32, #tpu.memory_space<vmem>> -> memref<104x64xf32, #tpu.memory_space<vmem>>
    %dma_wait3A_97 = arith.constant 0 : i32
    %dma_wait3A_98 = tpu.memref_slice %arg4[%mul3A_2, %dma_wait3A_97] : memref<106496x64xf32, #tpu.memory_space<hbm>> -> memref<104x64xf32, #tpu.memory_space<hbm>>
    tpu.wait_dma2 semaphore(%arg8 : memref<!tpu.dma_semaphore, #tpu.memory_space<semaphore_mem>>) src(%dma_wait3A_98 : memref<104x64xf32, #tpu.memory_space<hbm>>) dst(%dma_wait3A_96 : memref<104x64xf32, #tpu.memory_space<vmem>>)
    %dma_wait3A_99 = arith.constant 1 : i32
    %dma_wait3A_100 = arith.constant 3 : i32
    %dma_wait3A_101 = arith.constant 0 : i32
    %dma_wait3A_102 = arith.constant 0 : i32
    %dma_wait3A_103 = tpu.memref_slice %arg6[%dma_wait3A_99, %dma_wait3A_100, %dma_wait3A_101, %dma_wait3A_102] : memref<2x4x104x64xf32, #tpu.memory_space<vmem>> -> memref<1x1x104x64xf32, #tpu.memory_space<vmem>>
    %dma_wait3A_104 = tpu.memref_squeeze %dma_wait3A_103 : memref<1x1x104x64xf32, #tpu.memory_space<vmem>> -> memref<104x64xf32, #tpu.memory_space<vmem>>
    %dma_wait3A_105 = arith.constant 0 : i32
    %dma_wait3A_106 = tpu.memref_slice %arg4[%mul3A_2, %dma_wait3A_105] : memref<106496x64xf32, #tpu.memory_space<hbm>> -> memref<104x64xf32, #tpu.memory_space<hbm>>
    %dma_wait3A_107 = arith.constant 0 : i32
    %dma_wait3A_108 = arith.constant 0 : i32
    %dma_wait3A_109 = tpu.memref_slice %arg6[%dma_wait3A_99, %dma_wait3A_100, %dma_wait3A_107, %dma_wait3A_108] : memref<2x4x104x64xf32, #tpu.memory_space<vmem>> -> memref<1x1x104x64xf32, #tpu.memory_space<vmem>>
    %dma_wait3A_110 = tpu.memref_squeeze %dma_wait3A_109 : memref<1x1x104x64xf32, #tpu.memory_space<vmem>> -> memref<104x64xf32, #tpu.memory_space<vmem>>
    %dma_wait3A_111 = arith.constant 0 : i32
    %dma_wait3A_112 = tpu.memref_slice %arg4[%mul3A_2, %dma_wait3A_111] : memref<106496x64xf32, #tpu.memory_space<hbm>> -> memref<104x64xf32, #tpu.memory_space<hbm>>
    tpu.wait_dma2 semaphore(%arg8 : memref<!tpu.dma_semaphore, #tpu.memory_space<semaphore_mem>>) src(%dma_wait3A_112 : memref<104x64xf32, #tpu.memory_space<hbm>>) dst(%dma_wait3A_110 : memref<104x64xf32, #tpu.memory_space<vmem>>)
    return
  }
}

</mosaic_0001>

<sc_bundles>
// kernel: kernel.3.cloned.1.call-start
scs
__scs_entry_jumppad:
0x0: {  	(pc) =	sbr.rel $0x88, $3  }
0x1: {  	(tag) =	ssettag $0x0;
	lr =	simm.s32 $0x1  }
0x2: {  	[smem:$0x3F9F] =	sst lr;
	_ =	strace $0xD0000000  }
0x3: {  	_ = 	snop  }
0x4: {  	_ = 	snop  }
0x5: {  	_ = 	snop  }
0x6: {  	_ = 	snop  }
0x7: {  	_ = 	snop  }
__scs_overlays_trampoline_lowered:
0x8: {  	[smem:$0x3FAE] =	sst s0  }
0x9: {  	[smem:$0x3FAF] =	sst s1  }
0xa: {  	[smem:$0x3FB0] =	sst s2  }
0xb: {  	[smem:$0x3FB1] =	sst s3  }
0xc: {  	[smem:$0x3FB2] =	sst s4  }
0xd: {  	[smem:$0x3FB3] =	sst s5  }
0xe: {  	[smem:$0x3FB4] =	sst s6  }
0xf: {  	[smem:$0x3FB5] =	sst s7  }
0x10: {  	[smem:$0x3FB6] =	sst s8  }
0x11: {  	[smem:$0x3FB7] =	sst s9;
	s0 =	simm.s32 @!p0 $0x0  }
0x12: {  	s1 =	sld [smem:$0x3F9D];
	s0 =	simm.s32 @p0 $0x1  }
0x13: {  	[smem:$0x3FB8] =	sst s0;
	s0 =	simm.s32 @!p1 $0x0  }
0x14: {  	s2 =	sld [smem:$0x3F9C];
	s0 =	simm.s32 @p1 $0x1  }
0x15: {  	[smem:$0x3FB9] =	sst s0;
	s0 =	simm.s32 @!p2 $0x0  }
0x16: {  	s3 =	sld [smem:$0x3FDB];
	s0 =	simm.s32 @p2 $0x1  }
0x17: {  	s4 =	simm.s32 $0x1BF5;
	[smem:$0x3FBB] =	sst s0  }
0x18: {  	s0 =	sld [smem:$0x3F9E];
	_ =	swait.ge [sflag:s4], $0x0  }
0x19: {  	s7 =	sld [smem:$0x3F9F]  }
0x1a: {  	s8 =	sadd.s32 $0xFFFFE003, lr  }
0x1b: {  	s9 =	sadd.s32 $0xFFFFFEF7, lr;
	s5 =	simm.s32 $0xFFFFFFFF;
	p2 =	slt.u32 s8, $0xFFFFF086  }
0x1c: {  	p1 =	slt.u32 s9, $0xF7A;
	s5 =	simm.s32 @!p2 $0x0  }
0x1d: {  	s5 =	simm.s32 @p1 $0x1;
	p0 =	seq.s32 s7, s2  }
0x1e: {  	s7 =	smul.u32 @!p0 $0xF7A, s2;
	p2 =	seq.s32 @!p0 s5, $0x0  }
0x1f: {  	s9 =	smul.u32 $0xF7A, s1;
	s8 =	simm.s32 @!p0 $0x1BF5;
	p2 =	por !p2, p0  }
0x20: {  	[sflag:s8] =	ssyncset.s32 @!p0 $0xFFFFF086;
	s6 =	sadd.s32 @!p0 s3, s7;
	s7 =	simm.s32 @!p0 $0x108  }
0x21: {  	s3 =	sadd.s32 s3, s9;
	s6 =	sadd.s32 @!p0 $0x88, s6;
	s7 =	simm.s32 @p2 $0x1082  }
0x22: {  	[simem:s7], [sflag:s8] =	dma.local @!p0 [hbm:s6], $0xF7A  }
0x23: {  	s9 =	sor.u32 $0xD0000000, s2;
	s6 =	simm.s32 $0x108;
	_ =	swait.ge @!p0 [sflag:s8], $0x0  }
0x24: {  	s3 =	sadd.s32 $0x88, s3;
	s6 =	simm.s32 @!p1 $0x1082;
	[sflag:s4] =	ssyncset.s32 $0xFFFFF086  }
0x25: {  	[simem:s6], [sflag:s4] =	dma.local [hbm:s3], $0xF7A  }
0x26: {  	[smem:$0x3F9F] =	sst s1;
	(tag) =	ssettag s2;
	_ =	strace s9  }
0x27: {  	s1 =	sld [smem:$0x3FAF]  }
0x28: {  	s2 =	sld [smem:$0x3FB0]  }
0x29: {  	s4 =	sld [smem:$0x3FB2]  }
0x2a: {  	p0 =	seq.s32 s5, $0x0;
	s5 =	sld [smem:$0x3FB3]  }
0x2b: {  	s6 =	sld [smem:$0x3FB4]  }
0x2c: {  	s7 =	sld [smem:$0x3FB5]  }
0x2d: {  	s3 =	simm.s32 $0x108;
	s8 =	sld [smem:$0x3FB6]  }
0x2e: {  	s3 =	simm.s32 @!p0 $0x1082;
	s9 =	sld [smem:$0x3FB7]  }
0x2f: {  	lr =	sadd.s32 s0, s3;
	s0 =	sld [smem:$0x3FAE]  }
0x30: {  	s3 =	sld [smem:$0x3FB1]  }
0x31: {  	[smem:$0x3FBA] =	sst s10  }
0x32: {  	s10 =	sld [smem:$0x3FB8];
	_ =	sdelay $0x3  }
0x33: {  	p0 =	seq.s32 s10, $0x1;
	s10 =	sld [smem:$0x3FBA];
	_ =	sdelay $0x3  }
0x34: {  	[smem:$0x3FBA] =	sst s10  }
0x35: {  	s10 =	sld [smem:$0x3FB9];
	_ =	sdelay $0x3  }
0x36: {  	p1 =	seq.s32 s10, $0x1;
	s10 =	sld [smem:$0x3FBA];
	_ =	sdelay $0x3  }
0x37: {  	[smem:$0x3FBA] =	sst s10  }
0x38: {  	s10 =	sld [smem:$0x3FBB]  }
0x39: {  	_ = 	snop;
	(pc) =	sbr.ind lr, $3  }
0x3a: {  	_ = 	snop  }
0x3b: {  	_ = 	snop  }
0x3c: {  	p2 =	seq.s32 s10, $0x1;
	s10 =	sld [smem:$0x3FBA]  }
0x3d: {  	_ =	shalt  }
0x3e: {  	_ =	shalt  }
0x3f: {  	_ =	shalt  }
0x40: {  	_ =	shalt  }
0x41: {  	_ =	shalt  }
0x42: {  	_ =	shalt  }
0x43: {  	_ =	shalt  }
0x44: {  	_ =	shalt  }
0x45: {  	_ =	shalt  }
0x46: {  	_ =	shalt  }
0x47: {  	_ =	shalt  }
0x48: {  	_ =	shalt  }
0x49: {  	_ =	shalt  }
0x4a: {  	_ =	shalt  }
0x4b: {  	_ =	shalt  }
0x4c: {  	_ =	shalt  }
0x4d: {  	_ =	shalt  }
0x4e: {  	_ =	shalt  }
0x4f: {  	_ =	shalt  }
0x50: {  	_ =	shalt  }
0x51: {  	_ =	shalt  }
0x52: {  	_ =	shalt  }
0x53: {  	_ =	shalt  }
0x54: {  	_ =	shalt  }
0x55: {  	_ =	shalt  }
0x56: {  	_ =	shalt  }
0x57: {  	_ =	shalt  }
0x58: {  	_ =	shalt  }
0x59: {  	_ =	shalt  }
0x5a: {  	_ =	shalt  }
0x5b: {  	_ =	shalt  }
0x5c: {  	_ =	shalt  }
0x5d: {  	_ =	shalt  }
0x5e: {  	_ =	shalt  }
0x5f: {  	_ =	shalt  }
0x60: {  	_ =	shalt  }
0x61: {  	_ =	shalt  }
0x62: {  	_ =	shalt  }
0x63: {  	_ =	shalt  }
0x64: {  	_ =	shalt  }
0x65: {  	_ =	shalt  }
0x66: {  	_ =	shalt  }
0x67: {  	_ =	shalt  }
0x68: {  	_ =	shalt  }
0x69: {  	_ =	shalt  }
0x6a: {  	_ =	shalt  }
0x6b: {  	_ =	shalt  }
0x6c: {  	_ =	shalt  }
0x6d: {  	_ =	shalt  }
0x6e: {  	_ =	shalt  }
0x6f: {  	_ =	shalt  }
0x70: {  	_ =	shalt  }
0x71: {  	_ =	shalt  }
0x72: {  	_ =	shalt  }
0x73: {  	_ =	shalt  }
0x74: {  	_ =	shalt  }
0x75: {  	_ =	shalt  }
0x76: {  	_ =	shalt  }
0x77: {  	_ =	shalt  }
0x78: {  	_ =	shalt  }
0x79: {  	_ =	shalt  }
0x7a: {  	_ =	shalt  }
0x7b: {  	_ =	shalt  }
0x7c: {  	_ =	shalt  }
0x7d: {  	_ =	shalt  }
0x7e: {  	_ =	shalt  }
0x7f: {  	_ =	shalt  }
0x80: {  	_ =	shalt  }
0x81: {  	_ =	shalt  }
0x82: {  	_ =	shalt  }
0x83: {  	_ =	shalt  }
0x84: {  	_ =	shalt  }
0x85: {  	_ =	shalt  }
0x86: {  	_ =	shalt  }
0x87: {  	_ =	shalt  }
.Lfunc_end0:
.L_simem_size_0:
called_computation_lowered:
.L_overlay_start_0:
0x88: {  	s2 =	sld [smem:$0x3FD9]  }
0x89: {  	s3 =	sld [smem:$0x3FFE];
	_ =	sdelay $0x1  }
0x8a: {  	s1 =	srdreg.scid  }
0x8b: {  	s0 =	sand.u32 $0x1, s1  }
0x8c: {  	s17 =	sshll.u32 s0, $0xA;
	s2 =	sadd.s32 s3, s2  }
0x8d: {  	s2 =	sadd.s32 s2, s17  }
0x8e: {  	[smem:$0x3FC6] =	sst s2  }
0x8f: {  	_ = 	snop  }
0x90: {  	s2 =	sld [smem:$0x3FD0];
	(tm) =	ssettm $0x1  }
0x91: {  	s18 =	sld [smem:$0x3FFB];
	_ =	sdelay $0x3  }
0x92: {  	_ =	strace s18  }
0x93: {  	s3 =	sld [smem:$0x3FFC];
	_ =	sdelay $0x3  }
0x94: {  	_ =	strace s3  }
0x95: {  	s3 =	sld [smem:$0x3FFD];
	_ =	sdelay $0x3  }
0x96: {  	_ =	strace s3  }
0x97: {  	_ =	strace $0x8FFFFFFF  }
0x98: {  	s19 =	sld [smem:$0x3FDB];
	_ =	sdelay $0x1  }
0x99: {  	s4 =	simm.s32 $_scs_section_size  }
0x9a: {  	s5 =	simm.s32 $_size__tile_overlayer_lowered;
	s6 =	simm.s32 $_tile_overlayer_lowered  }
0x9b: {  	s22 =	simm.s32 $0x1BFF;
	s21 =	sshll.u32 s6, $0x1;
	s3 =	sadd.s32 s4, s19  }
0x9c: {  	s7 =	simm.s32 $0x0;
	s20 =	sshll.u32 s5, $0x1;
	s5 =	sadd.s32 s21, s3  }
0x9d: {  	[timem:s7], [sflag:s22] =	dma.local [hbm:s5], s20  }
0x9e: {  	_ =	swait.ge [sflag:s22], s20  }
0x9f: {  	s4 =	ssub.s32 $0x0, s20;
	[sflag:s22] =	ssyncset.done $0x0  }
0xa0: {  	[sflag:s22] =	ssyncadd.s32 s4;
	_ =	sdelay $0x1  }
0xa1: {  	s23 =	simm.s32 $0x1B8B  }
0xa2: {  	_ =	swait.ge [sflag:s23], $0x1  }
0xa3: {  	[sflag:s23] =	ssyncset.done $0x0  }
0xa4: {  	s25 =	simm.s32 $0x1B8E;
	s24 =	sld [smem:$0x3FFE];
	[sflag:s23] =	ssyncadd.s32 $0xFFFFFFFF  }
0xa5: {  	s26 =	simm.s32 $execute0_lowered;
	[smem:$0x3FD2] =	sst s25  }
0xa6: {  	s5 =	sshll.u32 s26, $0x1;
	_ =	strace $0x80000046;
	[dreg:$0x1] =	wrdreg $0xFFFFFFFF  }
0xa7: {  	s28 =	simm.s32 $_size_execute0_lowered;
	s3 =	sadd.s32 s3, s5;
	[dreg:$0x0] =	wrdreg $0x0  }
0xa8: {  	s5 =	sshll.u32 s28, $0x1;
	[dreg:$0x2] =	wrdreg s3  }
0xa9: {  	[dreg:$0x3] =	wrdreg s5  }
0xaa: {  	[dreg:$0x4] =	wrdreg $0xC0  }
0xab: {  	_ =	task [dreg:s7], $0x5FFFF  }
0xac: {  	[dreg:$0x1] =	wrdreg $0xFFFFFFFF  }
0xad: {  	[dreg:$0x0] =	wrdreg $0x60  }
0xae: {  	[dreg:$0x2] =	wrdreg s24  }
0xaf: {  	[dreg:$0x3] =	wrdreg s2  }
0xb0: {  	[dreg:$0x4] =	wrdreg $0x9  }
0xb1: {  	_ =	task.clear_ibuf [dreg:s7], $0x5FFFF;
	_ =	strace $0x90000046  }
0xb2: {  	s29 =	simm.s32 $0x9;
	_ =	strace $0x80000048  }
0xb3: {  	_ =	swait.ge [sflag:s29], $0x1  }
0xb4: {  	[sflag:s29] =	ssyncadd.s32 $0xFFFFFFFF  }
0xb5: {  	_ =	strace $0x90000048  }
0xb6: {  	_ =	sfence  }
0xb7: {  	s30 =	sld [smem:$0x0];
	_ =	sdelay $0x2  }
0xb8: {  	s31 =	sshll.u32 s1, $0xD;
	s1 =	sshrl.u32 s1, $0x2  }
0xb9: {  	s3 =	sand.u32 $0x4000, s31;
	s1 =	sadd.s32 s1, s30  }
0xba: {  	s0 =	sor.u32 s3, s0;
	s1 =	sshll.u32 s1, $0x11  }
0xbb: {  	s0 =	sor.u32 s1, s0  }
0xbc: {  	s0 =	sadd.s32 $0x8F2B, s0  }
0xbd: {  	[sflag:s0] =	ssyncadd.remote.s32 $0x1  }
0xbe: {  	_ =	sfence.sel $0xFFFF  }
0xbf: {  	[dreg:$0x0] =	wrdreg $0xFFFFFFFF;
	(pc) =	sbr.abs _section_cstart, $3  }
0xc0: {  	[dreg:$0x1] =	wrdreg $0xFFFFFFFF  }
0xc1: {  	_ =	task.clear_ibuf [dreg:s7], $0x2FFFF;
	_ =	strace $0x9FFFFFFF  }
0xc2: {  	(tm) =	ssettm $0x7FFFFFFF  }
0xc3: {  	_ =	shalt  }
tec
execute0_lowered:
.L_overlay_start_1:
0x0: {  	(tag) =	ssettag $0x1  }
0x1: {  	s1 =	srdreg.scid  }
0x2: {  	s0 =	stileid.u32;
	s4 =	rddreg [dreg:$0x0]  }
0x3: {  	s2 =	rddreg [dreg:$0x1];
	s3 =	simm.s32 $0x0;
	s11 =	simm.s32 $0xD0  }
0x4: {  	s12 =	simm.s32 $0x4100;
	s13 =	simm.s32 $0x138;
	s14 =	simm.s32 $0x5B00  }
0x5: {  	s15 =	simm.s32 $0x1;
	s16 =	simm.s32 $0x7500;
	s17 =	simm.s32 $0x8F00  }
0x6: {  	s18 =	simm.s32 $0xA900;
	s19 =	simm.s32 $0xC300;
	s6 =	smul.u32 $0x1A00, s0  }
0x7: {  	s20 =	simm.s32 $0x2;
	s5 =	sand.u32 $0x1, s1;
	s9 =	smul.u32 $0xD000, s0  }
0x8: {  	s1 =	rddreg [dreg:$0x2];
	s8 =	sshll.u32 s0, $0x1;
	s7 =	smul.u32 $0xD00, s5  }
0x9: {  	[smem:$0x7FF] =	sst s3;
	s8 =	sor.u32 s5, s8;
	s10 =	smul.u32 $0x6800, s5  }
0xa: {  	_ =	strace $0x80000047;
	s5 =	ssub.s32 $0x2, s5;
	s21 =	smul.u32 $0xD00, s8  }
0xb: {  	s29 =	sshrl.u32 s5, $0x1;
	s8 =	simm.s32 $0x68;
	s6 =	sadd.s32 s7, s6  }
0xc: {  	s25 =	sadd.s32 s10, s9;
	s9 =	ssub.s32 s5, s29;
	s6 =	sshll.u32 s6, $0x3  }
0xd: {  	s10 =	simm.s32 $0x2700;
	[dreg:$0x6] =	wrdreg s25;
	s22 =	sadd.s32 $0x9C0, s6  }
0xe: {  	s7 =	sshrl.u32 s21, $0x3;
	s23 =	sor.u32 $0x680, s6;
	[dreg:$0x3] =	wrdreg s22  }
0xf: {  	s21 =	simm.s32 $0x0;
	s24 =	sor.u32 $0x340, s6;
	[dreg:$0x4] =	wrdreg s23  }
0x10: {  	s7 =	sadd.s32 s7, s4;
	s26 =	sadd.s32 $0x16C0, s6;
	[dreg:$0x5] =	wrdreg s24  }
0x11: {  	s4 =	sadd.s32 $0xF42A00, s4;
	s28 =	sadd.s32 $0x1380, s6;
	[dreg:$0x7] =	wrdreg s26  }
0x12: {  	s30 =	sadd.s32 $0x1040, s6;
	s31 =	sadd.s32 $0xD00, s6;
	[dreg:$0x8] =	wrdreg s28  }
0x13: {  	s6 =	smax.u32 s9, $0x1;
	s9 =	simm.s32 $0xD00;
	[dreg:$0x9] =	wrdreg s30  }
0x14: {  	s5 =	sadd.s32 $0x600, s7;
	[dreg:$0xa] =	wrdreg s31;
	s7 =	simm.s32 $0x3  }
.LBB2_1:
0x15: {  	[tilespmem:s3], [sflag:$0x3] =	stream.linear.gather [hbm4b:s5+s3], $0xD00, $0x38;
	[tilespmem:$0xDD00] =	vst v63  }
0x16: {  	_ =	swait.ge [sflag:s7], $0xD00  }
0x17: {  	[sflag:s7] =	ssyncset.done $0x0  }
0x18: {  	[sflag:s7] =	ssyncadd.s32 $0xFFFFF300  }
0x19: {  	[tilespmem:s9], [sflag:$0x1] =	stream.indirect.gather [hbm4b:s4+s8], $0x40, s3, s8, $0xb8;
	[tilespmem:$0xDD00] =	vst v63  }
0x1a: {  	_ = 	snop  }
0x1b: {  	[tilespmem:s10], [sflag:$0x1] =	stream.indirect.gather [hbm4b:s4+s8], $0x40, s8, s8, $0xb8;
	[tilespmem:$0xDD00] =	vst v63  }
0x1c: {  	_ = 	snop  }
0x1d: {  	[tilespmem:s12], [sflag:$0x1] =	stream.indirect.gather [hbm4b:s4+s8], $0x40, s11, s8, $0xb8;
	[tilespmem:$0xDD00] =	vst v63  }
0x1e: {  	_ = 	snop  }
0x1f: {  	[tilespmem:s14], [sflag:$0x1] =	stream.indirect.gather [hbm4b:s4+s8], $0x40, s13, s8, $0xb8;
	[tilespmem:$0xDD00] =	vst v63  }
0x20: {  	_ =	swait.ge [sflag:s15], $0x1A00  }
0x21: {  	[sflag:s15] =	ssyncset.done $0x0  }
0x22: {  	[sflag:s15] =	ssyncadd.s32 $0xFFFFE600  }
0x23: {  	_ =	swait.ge [sflag:s15], $0x1A00  }
0x24: {  	[sflag:s15] =	ssyncset.done $0x0  }
0x25: {  	[sflag:s15] =	ssyncadd.s32 $0xFFFFE600  }
0x26: {  	_ =	swait.ge [sflag:s15], $0x1A00  }
0x27: {  	[sflag:s15] =	ssyncset.done $0x0  }
0x28: {  	[sflag:s15] =	ssyncadd.s32 $0xFFFFE600  }
0x29: {  	_ =	swait.ge [sflag:s15], $0x1A00  }
0x2a: {  	p0 =	por $0x1, $0x1;
	[sflag:s15] =	ssyncset.done $0x0  }
0x2b: {  	s22 =	simm.s32 @!p0 $0x2;
	[sflag:s15] =	ssyncadd.s32 $0xFFFFE600  }
0x2c: {  	_ =	swait.ge @!p0 [sflag:s22], $0x1A00  }
0x2d: {  	[sflag:s22] =	ssyncset.done @!p0 $0x0  }
0x2e: {  	[sflag:s22] =	ssyncadd.s32 @!p0 $0xFFFFE600  }
0x2f: {  	_ =	swait.ge @!p0 [sflag:s22], $0x1A00  }
0x30: {  	[sflag:s22] =	ssyncset.done @!p0 $0x0  }
0x31: {  	[sflag:s22] =	ssyncadd.s32 @!p0 $0xFFFFE600  }
0x32: {  	_ =	swait.ge @!p0 [sflag:s22], $0x1A00  }
0x33: {  	[sflag:s22] =	ssyncset.done @!p0 $0x0  }
0x34: {  	[sflag:s22] =	ssyncadd.s32 @!p0 $0xFFFFE600  }
0x35: {  	_ =	swait.ge @!p0 [sflag:s22], $0x1A00  }
0x36: {  	[sflag:s22] =	ssyncset.done @!p0 $0x0  }
0x37: {  	s25 =	simm.s32 $0x1A0;
	[sflag:s22] =	ssyncadd.s32 @!p0 $0xFFFFE600  }
0x38: {  	[tilespmem:s16], [sflag:$0x1] =	stream.indirect.gather [hbm4b:s4+s8], $0x40, s25, s8, $0xb8;
	[tilespmem:$0xDD00] =	vst v63  }
0x39: {  	s26 =	simm.s32 $0x208  }
0x3a: {  	[tilespmem:s17], [sflag:$0x1] =	stream.indirect.gather [hbm4b:s4+s8], $0x40, s26, s8, $0xb8;
	[tilespmem:$0xDD00] =	vst v63  }
0x3b: {  	s28 =	simm.s32 $0x270  }
0x3c: {  	[tilespmem:s18], [sflag:$0x1] =	stream.indirect.gather [hbm4b:s4+s8], $0x40, s28, s8, $0xb8;
	[tilespmem:$0xDD00] =	vst v63  }
0x3d: {  	s29 =	simm.s32 $0x2D8;
	s23 =	rddreg [dreg:$0x6]  }
0x3e: {  	[tilespmem:s19], [sflag:$0x1] =	stream.indirect.gather [hbm4b:s4+s8], $0x40, s29, s8, $0xb8;
	[tilespmem:$0xDD00] =	vst v63  }
0x3f: {  	s24 =	rddreg [dreg:$0x5];
	s30 =	sadd.s32 s2, s23  }
0x40: {  	[hbm4b:s30+s3] =	stream.linear.scatter [tilespmem:s9], [sflag:$0x2], $0x1A00, $0x38;
	[tilespmem:$0xDD00] =	vst v63  }
0x41: {  	s31 =	rddreg [dreg:$0x4];
	s25 =	sadd.s32 s2, s24  }
0x42: {  	[hbm4b:s25+s3] =	stream.linear.scatter [tilespmem:s10], [sflag:$0x2], $0x1A00, $0x38;
	[tilespmem:$0xDD00] =	vst v63  }
0x43: {  	s26 =	rddreg [dreg:$0x3];
	s28 =	sadd.s32 s2, s31  }
0x44: {  	[hbm4b:s28+s3] =	stream.linear.scatter [tilespmem:s12], [sflag:$0x2], $0x1A00, $0x38;
	[tilespmem:$0xDD00] =	vst v63  }
0x45: {  	s29 =	sadd.s32 s2, s26  }
0x46: {  	[hbm4b:s29+s3] =	stream.linear.scatter [tilespmem:s14], [sflag:$0x2], $0x1A00, $0x38;
	[tilespmem:$0xDD00] =	vst v63  }
0x47: {  	_ =	swait.ge [sflag:s15], $0x1A00  }
0x48: {  	[sflag:s15] =	ssyncset.done $0x0  }
0x49: {  	[sflag:s15] =	ssyncadd.s32 $0xFFFFE600  }
0x4a: {  	_ =	swait.ge [sflag:s15], $0x1A00  }
0x4b: {  	[sflag:s15] =	ssyncset.done $0x0  }
0x4c: {  	[sflag:s15] =	ssyncadd.s32 $0xFFFFE600  }
0x4d: {  	_ =	swait.ge [sflag:s15], $0x1A00  }
0x4e: {  	[sflag:s15] =	ssyncset.done $0x0  }
0x4f: {  	[sflag:s15] =	ssyncadd.s32 $0xFFFFE600  }
0x50: {  	_ =	swait.ge [sflag:s15], $0x1A00  }
0x51: {  	[sflag:s15] =	ssyncset.done $0x0  }
0x52: {  	[sflag:s15] =	ssyncadd.s32 $0xFFFFE600  }
0x53: {  	_ =	swait.ge [sflag:s20], $0x1A00  }
0x54: {  	[sflag:s20] =	ssyncset.done $0x0  }
0x55: {  	[sflag:s20] =	ssyncadd.s32 $0xFFFFE600  }
0x56: {  	_ =	swait.ge [sflag:s20], $0x1A00  }
0x57: {  	[sflag:s20] =	ssyncset.done $0x0  }
0x58: {  	[sflag:s20] =	ssyncadd.s32 $0xFFFFE600  }
0x59: {  	_ =	swait.ge [sflag:s20], $0x1A00  }
0x5a: {  	[sflag:s20] =	ssyncset.done $0x0  }
0x5b: {  	[sflag:s20] =	ssyncadd.s32 $0xFFFFE600  }
0x5c: {  	p0 =	por $0x0, $0x0;
	_ =	swait.ge [sflag:s20], $0x1A00  }
0x5d: {  	s22 =	simm.s32 @!p0 $0xD00;
	[sflag:s20] =	ssyncset.done $0x0  }
0x5e: {  	s23 =	simm.s32 @!p0 $0x340;
	s24 =	simm.s32 @!p0 $0x68;
	[sflag:s20] =	ssyncadd.s32 $0xFFFFE600  }
0x5f: {  	[tilespmem:s22], [sflag:$0x1] =	stream.indirect.gather @!p0 [hbm4b:s4+s24], $0x40, s23, s24, $0xb8;
	[tilespmem:$0xDD00] =	vst v63  }
0x60: {  	s22 =	simm.s32 @!p0 $0x3A8;
	s23 =	simm.s32 @!p0 $0x2700  }
0x61: {  	[tilespmem:s23], [sflag:$0x1] =	stream.indirect.gather @!p0 [hbm4b:s4+s24], $0x40, s22, s24, $0xb8;
	[tilespmem:$0xDD00] =	vst v63  }
0x62: {  	s25 =	simm.s32 @!p0 $0x4100;
	s30 =	rddreg [dreg:$0xa];
	s23 =	simm.s32 @!p0 $0x410  }
0x63: {  	[tilespmem:s25], [sflag:$0x1] =	stream.indirect.gather @!p0 [hbm4b:s4+s24], $0x40, s23, s24, $0xb8;
	[tilespmem:$0xDD00] =	vst v63  }
0x64: {  	s26 =	simm.s32 @!p0 $0x5B00;
	s31 =	rddreg [dreg:$0x9];
	s25 =	simm.s32 @!p0 $0x478  }
0x65: {  	[tilespmem:s26], [sflag:$0x1] =	stream.indirect.gather @!p0 [hbm4b:s4+s24], $0x40, s25, s24, $0xb8;
	[tilespmem:$0xDD00] =	vst v63  }
0x66: {  	s28 =	rddreg [dreg:$0x8];
	s22 =	sadd.s32 s2, s30  }
0x67: {  	[hbm4b:s22+s3] =	stream.linear.scatter [tilespmem:s16], [sflag:$0x2], $0x1A00, $0x38;
	[tilespmem:$0xDD00] =	vst v63  }
0x68: {  	s29 =	sadd.s32 s2, s31;
	s31 =	sadd.s32 s2, s28;
	s30 =	rddreg [dreg:$0x7]  }
0x69: {  	[hbm4b:s29+s3] =	stream.linear.scatter [tilespmem:s17], [sflag:$0x2], $0x1A00, $0x38;
	[tilespmem:$0xDD00] =	vst v63  }
0x6a: {  	s23 =	smov.u32 s2;
	s25 =	sadd.s32 s2, s30;
	s22 =	simm.s32 $0xD00  }
0x6b: {  	[hbm4b:s31+s3] =	stream.linear.scatter [tilespmem:s18], [sflag:$0x2], $0x1A00, $0x38;
	[tilespmem:$0xDD00] =	vst v63  }
.LBB2_2:
0x6c: {  	[hbm4b:s25+s3] =	stream.linear.scatter [tilespmem:s19], [sflag:$0x2], $0x1A00, $0x38;
	[tilespmem:$0xDD00] =	vst v63  }
0x6d: {  	_ =	swait.ge [sflag:s15], $0x1A00  }
0x6e: {  	[sflag:s15] =	ssyncset.done $0x0  }
0x6f: {  	[sflag:s15] =	ssyncadd.s32 $0xFFFFE600  }
0x70: {  	_ =	swait.ge [sflag:s15], $0x1A00  }
0x71: {  	[sflag:s15] =	ssyncset.done $0x0  }
0x72: {  	[sflag:s15] =	ssyncadd.s32 $0xFFFFE600  }
0x73: {  	_ =	swait.ge [sflag:s15], $0x1A00  }
0x74: {  	[sflag:s15] =	ssyncset.done $0x0  }
0x75: {  	[sflag:s15] =	ssyncadd.s32 $0xFFFFE600  }
0x76: {  	s24 =	smov.u32 s22;
	_ =	swait.ge [sflag:s15], $0x1A00  }
0x77: {  	p1 =	seq.s32 s24, $0x0;
	[sflag:s15] =	ssyncset.done $0x0  }
0x78: {  	s25 =	simm.s32 @!p1 $0x2;
	[sflag:s15] =	ssyncadd.s32 $0xFFFFE600  }
0x79: {  	_ =	swait.ge @!p1 [sflag:s25], $0x1A00  }
0x7a: {  	[sflag:s25] =	ssyncset.done @!p1 $0x0  }
0x7b: {  	[sflag:s25] =	ssyncadd.s32 @!p1 $0xFFFFE600  }
0x7c: {  	_ =	swait.ge @!p1 [sflag:s25], $0x1A00  }
0x7d: {  	[sflag:s25] =	ssyncset.done @!p1 $0x0  }
0x7e: {  	[sflag:s25] =	ssyncadd.s32 @!p1 $0xFFFFE600  }
0x7f: {  	_ =	swait.ge @!p1 [sflag:s25], $0x1A00  }
0x80: {  	[sflag:s25] =	ssyncset.done @!p1 $0x0  }
0x81: {  	[sflag:s25] =	ssyncadd.s32 @!p1 $0xFFFFE600  }
0x82: {  	_ =	swait.ge @!p1 [sflag:s25], $0x1A00  }
0x83: {  	s26 =	sshra.s32 s24, $0x2;
	[sflag:s25] =	ssyncset.done @!p1 $0x0  }
0x84: {  	s29 =	sadd.s32 $0x1A0, s26;
	[sflag:s25] =	ssyncadd.s32 @!p1 $0xFFFFE600  }
0x85: {  	[tilespmem:s16], [sflag:$0x1] =	stream.indirect.gather [hbm4b:s4+s8], $0x40, s29, s8, $0xb8;
	[tilespmem:$0xDD00] =	vst v63  }
0x86: {  	s30 =	sadd.s32 $0x208, s26  }
0x87: {  	[tilespmem:s17], [sflag:$0x1] =	stream.indirect.gather [hbm4b:s4+s8], $0x40, s30, s8, $0xb8;
	[tilespmem:$0xDD00] =	vst v63  }
0x88: {  	s31 =	sadd.s32 $0x270, s26  }
0x89: {  	[tilespmem:s18], [sflag:$0x1] =	stream.indirect.gather [hbm4b:s4+s8], $0x40, s31, s8, $0xb8;
	[tilespmem:$0xDD00] =	vst v63  }
0x8a: {  	s23 =	sadd.s32 $0x1A00, s23;
	s26 =	sadd.s32 $0x2D8, s26;
	s28 =	rddreg [dreg:$0x6]  }
0x8b: {  	[tilespmem:s19], [sflag:$0x1] =	stream.indirect.gather [hbm4b:s4+s8], $0x40, s26, s8, $0xb8;
	[tilespmem:$0xDD00] =	vst v63  }
0x8c: {  	s29 =	rddreg [dreg:$0x5];
	s30 =	sadd.s32 s23, s28  }
0x8d: {  	[hbm4b:s30+s3] =	stream.linear.scatter [tilespmem:s9], [sflag:$0x2], $0x1A00, $0x38;
	[tilespmem:$0xDD00] =	vst v63  }
0x8e: {  	s31 =	rddreg [dreg:$0x4];
	s26 =	sadd.s32 s23, s29  }
0x8f: {  	[hbm4b:s26+s3] =	stream.linear.scatter [tilespmem:s10], [sflag:$0x2], $0x1A00, $0x38;
	[tilespmem:$0xDD00] =	vst v63  }
0x90: {  	s29 =	rddreg [dreg:$0x3];
	s30 =	sadd.s32 s23, s31  }
0x91: {  	[hbm4b:s30+s3] =	stream.linear.scatter [tilespmem:s12], [sflag:$0x2], $0x1A00, $0x38;
	[tilespmem:$0xDD00] =	vst v63  }
0x92: {  	s31 =	sadd.s32 s23, s29  }
0x93: {  	[hbm4b:s31+s3] =	stream.linear.scatter [tilespmem:s14], [sflag:$0x2], $0x1A00, $0x38;
	[tilespmem:$0xDD00] =	vst v63  }
0x94: {  	_ =	swait.ge [sflag:s15], $0x1A00  }
0x95: {  	[sflag:s15] =	ssyncset.done $0x0  }
0x96: {  	[sflag:s15] =	ssyncadd.s32 $0xFFFFE600  }
0x97: {  	_ =	swait.ge [sflag:s15], $0x1A00  }
0x98: {  	[sflag:s15] =	ssyncset.done $0x0  }
0x99: {  	[sflag:s15] =	ssyncadd.s32 $0xFFFFE600  }
0x9a: {  	_ =	swait.ge [sflag:s15], $0x1A00  }
0x9b: {  	[sflag:s15] =	ssyncset.done $0x0  }
0x9c: {  	[sflag:s15] =	ssyncadd.s32 $0xFFFFE600  }
0x9d: {  	_ =	swait.ge [sflag:s15], $0x1A00  }
0x9e: {  	[sflag:s15] =	ssyncset.done $0x0  }
0x9f: {  	[sflag:s15] =	ssyncadd.s32 $0xFFFFE600  }
0xa0: {  	_ =	swait.ge [sflag:s20], $0x1A00  }
0xa1: {  	[sflag:s20] =	ssyncset.done $0x0  }
0xa2: {  	[sflag:s20] =	ssyncadd.s32 $0xFFFFE600  }
0xa3: {  	_ =	swait.ge [sflag:s20], $0x1A00  }
0xa4: {  	[sflag:s20] =	ssyncset.done $0x0  }
0xa5: {  	[sflag:s20] =	ssyncadd.s32 $0xFFFFE600  }
0xa6: {  	_ =	swait.ge [sflag:s20], $0x1A00  }
0xa7: {  	[sflag:s20] =	ssyncset.done $0x0  }
0xa8: {  	[sflag:s20] =	ssyncadd.s32 $0xFFFFE600  }
0xa9: {  	p1 =	seq.s32 s24, $0x2700;
	_ =	swait.ge [sflag:s20], $0x1A00  }
0xaa: {  	s25 =	simm.s32 @!p1 $0xD00;
	s24 =	sshra.s32 @!p1 s24, $0x2;
	[sflag:s20] =	ssyncset.done $0x0  }
0xab: {  	s29 =	sadd.s32 @!p1 $0x340, s24;
	s30 =	simm.s32 @!p1 $0x68;
	[sflag:s20] =	ssyncadd.s32 $0xFFFFE600  }
0xac: {  	[tilespmem:s25], [sflag:$0x1] =	stream.indirect.gather @!p1 [hbm4b:s4+s30], $0x40, s29, s30, $0xb8;
	[tilespmem:$0xDD00] =	vst v63  }
0xad: {  	s25 =	sadd.s32 @!p1 $0x3A8, s24;
	s29 =	simm.s32 @!p1 $0x2700  }
0xae: {  	[tilespmem:s29], [sflag:$0x1] =	stream.indirect.gather @!p1 [hbm4b:s4+s30], $0x40, s25, s30, $0xb8;
	[tilespmem:$0xDD00] =	vst v63  }
0xaf: {  	s22 =	sadd.s32 $0xD00, s22;
	s31 =	sadd.s32 @!p1 $0x410, s24;
	s25 =	simm.s32 @!p1 $0x4100  }
0xb0: {  	[tilespmem:s25], [sflag:$0x1] =	stream.indirect.gather @!p1 [hbm4b:s4+s30], $0x40, s31, s30, $0xb8;
	[tilespmem:$0xDD00] =	vst v63  }
0xb1: {  	s26 =	rddreg [dreg:$0xa];
	s24 =	sadd.s32 @!p1 $0x478, s24;
	s25 =	simm.s32 @!p1 $0x5B00  }
0xb2: {  	[tilespmem:s25], [sflag:$0x1] =	stream.indirect.gather @!p1 [hbm4b:s4+s30], $0x40, s24, s30, $0xb8;
	[tilespmem:$0xDD00] =	vst v63  }
0xb3: {  	p0 =	sne.s32 s22, $0x3400;
	s28 =	rddreg [dreg:$0x9];
	s26 =	sadd.s32 s23, s26  }
0xb4: {  	[hbm4b:s26+s3] =	stream.linear.scatter [tilespmem:s16], [sflag:$0x2], $0x1A00, $0x38;
	[tilespmem:$0xDD00] =	vst v63  }
.Ltmp0:
0xb5: {  	s29 =	rddreg [dreg:$0x8];
	(pc) =	sbr.rel @p0 .LBB2_2-.Ltmp0, $4  }
0xb6: {  	s31 =	rddreg [dreg:$0x7];
	s30 =	sadd.s32 s23, s28  }
0xb7: {  	[hbm4b:s30+s3] =	stream.linear.scatter [tilespmem:s17], [sflag:$0x2], $0x1A00, $0x38;
	[tilespmem:$0xDD00] =	vst v63  }
0xb8: {  	s25 =	sadd.s32 s23, s31;
	s31 =	sadd.s32 s23, s29  }
0xb9: {  	[hbm4b:s31+s3] =	stream.linear.scatter [tilespmem:s18], [sflag:$0x2], $0x1A00, $0x38;
	[tilespmem:$0xDD00] =	vst v63  }
0xba: {  	[hbm4b:s25+s3] =	stream.linear.scatter [tilespmem:s19], [sflag:$0x2], $0x1A00, $0x38;
	[tilespmem:$0xDD00] =	vst v63  }
0xbb: {  	_ =	swait.ge [sflag:s20], $0x1A00  }
0xbc: {  	[sflag:s20] =	ssyncset.done $0x0  }
0xbd: {  	[sflag:s20] =	ssyncadd.s32 $0xFFFFE600  }
0xbe: {  	_ =	swait.ge [sflag:s20], $0x1A00  }
0xbf: {  	[sflag:s20] =	ssyncset.done $0x0  }
0xc0: {  	s21 =	sadd.s32 $0x1, s21;
	[sflag:s20] =	ssyncadd.s32 $0xFFFFE600  }
0xc1: {  	p0 =	sne.s32 s21, s6;
	_ =	swait.ge [sflag:s20], $0x1A00  }
.Ltmp1:
0xc2: {  	[sflag:s20] =	ssyncset.done $0x0;
	(pc) =	sbr.rel @p0 .LBB2_1-.Ltmp1, $4  }
0xc3: {  	[sflag:s20] =	ssyncadd.s32 $0xFFFFE600  }
0xc4: {  	_ =	swait.ge [sflag:s20], $0x1A00  }
0xc5: {  	[sflag:s20] =	ssyncset.done $0x0  }
0xc6: {  	[sflag:s20] =	ssyncadd.s32 $0xFFFFE600  }
0xc7: {  	_ =	sfence.sel $0x180000  }
0xc8: {  	[bflag:$0x0] =	sbarrier.arrive $0xFFFF  }
0xc9: {  	p0 =	sne.s32 s0, $0x0;
	_ =	strace $0x90000047  }
0xca: {  	s0 =	sadd.s32 @!p0 $0x100000, s1;
	[bflag:$0x2] =	sbarrier.arrive $0xFFFF  }
0xcb: {  	[sflag:s0] =	ssyncadd.tile.s32 @!p0 $0x1;
	_ =	shalt  }
.Lfunc_end2:
_tile_overlayer_lowered:
.L_overlay_start_2:
0xcc: {  	(tag) =	ssettag $0x2  }
0xcd: {  	s0 =	rddreg [dreg:$0x0];
	s2 =	stileid.u32  }
0xce: {  	s1 =	rddreg [dreg:$0x1];
	p0 =	sne.s32 s2, $0x0  }
0xcf: {  	s3 =	rddreg [dreg:$0x2];
	[bflag:$0x3] =	sbarrier.arrive $0xFFFF;
	s2 =	simm.s32 @!p0 $0x1C03  }
0xd0: {  	[timem:s3], [sflag:s2] =	dma.local @!p0 [hbm:s0], s1  }
0xd1: {  	s0 =	simm.s32 @!p0 $0x3  }
0xd2: {  	_ =	swait.ge @!p0 [sflag:s0], s1  }
0xd3: {  	s1 =	ssub.s32 @!p0 $0x0, s1;
	[sflag:s0] =	ssyncset.done @!p0 $0x0  }
0xd4: {  	[sflag:s0] =	ssyncadd.s32 @!p0 s1  }
0xd5: {  	[bflag:$0x3] =	sbarrier.arrive $0xFFFF  }
0xd6: {  	_ =	shalt  }

</sc_bundles>
